<compile_context>
chip_gen: v7x
topology: tpu7x:2x2x1
jax: 0.10.2.dev20260603
libtpu: 0.0.44.dev20260713+nightly
codegen_flags: <defaults>
</compile_context>

<pallas_src>
import functools

import jax
import jax.numpy as jnp
from jax import lax
from jax.experimental import pallas as pl
from jax.experimental.pallas import tpu as pltpu
from jax.experimental.pallas import tpu_sc as plsc

B, N, C = 4, 20000, 3
PRE, POST, TH = 1024, 512, 0.7
NP = 20480
RR, LL = 160, 128
PK = 32768


def _select_body(cls_ref, score_ref, packed_ref, posm_ref):
    c0 = cls_ref[0]
    c1 = cls_ref[1]
    c2 = cls_ref[2]
    s = jnp.maximum(jnp.maximum(c0, c1), c2)
    lab = jnp.where((c0 >= c1) & (c0 >= c2), 0, jnp.where(c1 >= c2, 1, 2))

    i32 = lax.bitcast_convert_type(s, jnp.int32)
    key = jnp.where(i32 >= 0, i32, i32 ^ jnp.int32(0x7FFFFFFF))
    ukey = lax.bitcast_convert_type(key, jnp.uint32) ^ jnp.uint32(0x80000000)
    rowi = lax.broadcasted_iota(jnp.int32, (RR, LL), 0)
    lanei = lax.broadcasted_iota(jnp.int32, (RR, LL), 1)
    flat = rowi * LL + lanei
    ukey = jnp.where(flat < N, ukey, jnp.uint32(0))

    def bs_body(_, carry):
        lo, hi = carry
        step = jnp.maximum((hi - lo) // jnp.uint32(8), jnp.uint32(1))
        new_lo, new_hi = lo, hi
        for k in range(1, 8):
            m = lo + step * jnp.uint32(k)
            cnt = jnp.sum((ukey >= m).astype(jnp.int32))
            big = cnt >= PRE
            new_lo = jnp.where(big, jnp.maximum(new_lo, m), new_lo)
            new_hi = jnp.where(big, new_hi, jnp.minimum(new_hi, m))
        return new_lo, new_hi

    lo0 = jnp.uint32(0)
    hi0 = jnp.uint32(0xFFFFFFFF)
    t_u, _ = lax.fori_loop(0, 12, bs_body, (lo0, hi0))

    gt = ukey > t_u
    eq = ukey == t_u
    need = PRE - jnp.sum(gt.astype(jnp.int32))

    def ix_body(_, carry):
        lo, hi = carry
        step = jnp.maximum((hi - lo) // 8, 1)
        new_lo, new_hi = lo, hi
        for k in range(1, 8):
            m = lo + step * k
            cnt = jnp.sum((eq & (flat < m)).astype(jnp.int32))
            enough = cnt >= need
            new_hi = jnp.where(enough, jnp.minimum(new_hi, m), new_hi)
            new_lo = jnp.where(enough, new_lo, jnp.maximum(new_lo, m))
        return new_lo, new_hi

    _, m_hi = lax.fori_loop(0, 5, ix_body, (jnp.int32(0), jnp.int32(NP)))
    sel = gt | (eq & (flat < m_hi))
    self32 = sel.astype(jnp.float32)

    tri_r = (
        lax.broadcasted_iota(jnp.int32, (RR, RR), 1)
        < lax.broadcasted_iota(jnp.int32, (RR, RR), 0)
    ).astype(jnp.float32)
    tri_l = (
        lax.broadcasted_iota(jnp.int32, (LL, LL), 0)
        < lax.broadcasted_iota(jnp.int32, (LL, LL), 1)
    ).astype(jnp.float32)
    rowsum = jnp.sum(self32, axis=1, keepdims=True)
    prior = lax.dot_general(
        tri_r, rowsum, (((1,), (0,)), ((), ())),
        preferred_element_type=jnp.float32,
    )
    within = lax.dot_general(
        self32, tri_l, (((1,), (0,)), ((), ())),
        preferred_element_type=jnp.float32,
    )
    pos = (prior + within).astype(jnp.int32)

    score_ref[...] = s
    packed_ref[...] = lab * PK + flat
    posm_ref[...] = jnp.where(sel, pos, PRE)


def _make_compact():
    mesh = plsc.VectorSubcoreMesh(core_axis_name="c", subcore_axis_name="s")

    @functools.partial(
        pl.kernel,
        mesh=mesh,
        compiler_params=pltpu.CompilerParams(needs_layout_passes=False),
        out_type=[
            jax.ShapeDtypeStruct((B, PRE), jnp.int32),
            jax.ShapeDtypeStruct((B, PRE), jnp.float32),
        ],
        scratch_types=[
            pltpu.VMEM((NP,), jnp.int32),
            pltpu.VMEM((NP,), jnp.int32),
            pltpu.VMEM((NP,), jnp.float32),
            pltpu.VMEM((PRE,), jnp.int32),
            pltpu.VMEM((PRE,), jnp.float32),
        ],
    )
    def _compact(posm_hbm, pak_hbm, sco_hbm, pk_out, sc_out,
                 posm_v, pak_v, sco_v, cpk_v, csc_v):
        wid = lax.axis_index("s") * 2 + lax.axis_index("c")

        @pl.when(wid < B)
        def _():
            b = wid
            pltpu.sync_copy(posm_hbm.at[b], posm_v)
            pltpu.sync_copy(pak_hbm.at[b], pak_v)
            pltpu.sync_copy(sco_hbm.at[b], sco_v)

            def scat(i, carry):
                sl = pl.ds(i * 16, 16)
                idxs = posm_v[sl]
                msk = idxs < PRE
                plsc.store_scatter(cpk_v, [idxs], pak_v[sl], mask=msk)
                plsc.store_scatter(csc_v, [idxs], sco_v[sl], mask=msk)
                return carry

            lax.fori_loop(0, NP // 16, scat, 0)
            pltpu.sync_copy(cpk_v, pk_out.at[b])
            pltpu.sync_copy(csc_v, sc_out.at[b])

    return _compact


_compact_kernel = _make_compact()


def _nms_body(bx_ref, cpk_ref, csc_ref, out_ref):
    sc_row = csc_ref[...]
    cpk = cpk_ref[...]
    ix_row = (cpk % PK).astype(jnp.float32)
    lb_row = (cpk // PK).astype(jnp.float32)
    bxt = jnp.transpose(bx_ref[...])
    pt = jnp.concatenate(
        [bxt, sc_row, lb_row, ix_row, jnp.zeros((6, PRE), jnp.float32)], axis=0
    )
    payload = jnp.transpose(pt)
    sc_col = payload[:, 7:8]
    ix_col = payload[:, 9:10]

    cmp = jnp.where(
        (sc_col > sc_row) | ((sc_col == sc_row) & (ix_col < ix_row)), 1.0, 0.0
    )

    x = pt[0:1, :]
    y = pt[1:2, :]
    dx = pt[3:4, :]
    dy = pt[4:5, :]
    ry = pt[6:7, :]
    c = jnp.abs(jnp.cos(ry))
    s = jnp.abs(jnp.sin(ry))
    hx = (dx * c + dy * s) * 0.5
    hy = (dx * s + dy * c) * 0.5
    a_row = jnp.concatenate(
        [x - hx, y - hy, x + hx, y + hy, jnp.zeros((4, PRE), jnp.float32)], axis=0
    )
    a_col = jnp.transpose(a_row)

    x1 = jnp.maximum(a_col[:, 0:1], a_row[0:1, :])
    y1 = jnp.maximum(a_col[:, 1:2], a_row[1:2, :])
    x2 = jnp.minimum(a_col[:, 2:3], a_row[2:3, :])
    y2 = jnp.minimum(a_col[:, 3:4], a_row[3:4, :])
    inter = jnp.clip(x2 - x1, 0.0, None) * jnp.clip(y2 - y1, 0.0, None)
    area_row = (a_row[2:3, :] - a_row[0:1, :]) * (a_row[3:4, :] - a_row[1:2, :])
    area_col = (a_col[:, 2:3] - a_col[:, 0:1]) * (a_col[:, 3:4] - a_col[:, 1:2])
    union = area_col + area_row - inter
    iou = inter / (union + 1e-6)

    sup = jnp.where(iou > TH, cmp, 0.0)

    def cond(carry):
        _, changed = carry
        return changed

    def body(carry):
        keep, _ = carry
        v = lax.dot_general(
            keep, sup, (((1,), (0,)), ((), ())),
            preferred_element_type=jnp.float32,
        )
        new = (v < 0.5).astype(jnp.float32)
        changed = jnp.sum(jnp.abs(new - keep)) > 0.0
        return new, changed

    keep0 = jnp.ones((1, PRE), jnp.float32)
    keep, _ = lax.while_loop(cond, body, (keep0, jnp.bool_(True)))

    pos = lax.dot_general(
        keep, cmp, (((1,), (0,)), ((), ())),
        preferred_element_type=jnp.float32,
    )
    slot = lax.broadcasted_iota(jnp.int32, (POST, PRE), 0).astype(jnp.float32)
    selm = jnp.where((jnp.abs(pos - slot) < 0.5) & (keep > 0.5), 1.0, 0.0)
    out_ref[...] = lax.dot_general(
        selm, payload, (((1,), (0,)), ((), ())),
        preferred_element_type=jnp.float32, precision=lax.Precision.HIGHEST,
    )


@jax.jit
def kernel(batch_box_preds, batch_cls_preds):
    cls_t = jnp.swapaxes(batch_cls_preds, 1, 2)
    cls_t = jnp.concatenate(
        [cls_t, jnp.zeros((B, C, NP - N), jnp.float32)], axis=-1
    ).reshape(B, C, RR, LL)

    score_g, packed_g, posm_g = pl.pallas_call(
        _select_body,
        grid=(B,),
        in_specs=[pl.BlockSpec((None, C, RR, LL), lambda b: (b, 0, 0, 0))],
        out_specs=[
            pl.BlockSpec((None, RR, LL), lambda b: (b, 0, 0)),
            pl.BlockSpec((None, RR, LL), lambda b: (b, 0, 0)),
            pl.BlockSpec((None, RR, LL), lambda b: (b, 0, 0)),
        ],
        out_shape=[
            jax.ShapeDtypeStruct((B, RR, LL), jnp.float32),
            jax.ShapeDtypeStruct((B, RR, LL), jnp.int32),
            jax.ShapeDtypeStruct((B, RR, LL), jnp.int32),
        ],
    )(cls_t)

    cpk, csc = _compact_kernel(
        posm_g.reshape(B, NP), packed_g.reshape(B, NP), score_g.reshape(B, NP)
    )
    cidx = cpk % PK
    bxg = jnp.take_along_axis(batch_box_preds, cidx[..., None], axis=1)

    out = pl.pallas_call(
        _nms_body,
        grid=(B,),
        in_specs=[
            pl.BlockSpec((None, PRE, 7), lambda b: (b, 0, 0)),
            pl.BlockSpec((None, 1, PRE), lambda b: (b, 0, 0)),
            pl.BlockSpec((None, 1, PRE), lambda b: (b, 0, 0)),
        ],
        out_specs=pl.BlockSpec((None, POST, 16), lambda b: (b, 0, 0)),
        out_shape=jax.ShapeDtypeStruct((B, POST, 16), jnp.float32),
    )(bxg, cpk.reshape(B, 1, PRE), csc.reshape(B, 1, PRE))

    rois = out[..., :7]
    roi_scores = out[..., 7]
    roi_labels = jnp.round(out[..., 8]).astype(jnp.int32) + 1
    return rois, roi_scores, roi_labels

# --- scband reference (transcript-rebuilt; emitter-appended) ---
"""Pipeline reference for scband-ro-ihead-template-35974646072113 (READ-ONLY COPY).

The authoritative reference and input builder live on the scoring server;
editing this copy changes nothing except your own understanding.
"""

import jax, jax.numpy as jnp
import numpy as np
from jax import lax

B, N, C = 4, 20000, 3
PRE, POST, TH = 1024, 512, 0.7


def setup_inputs(seed: int = 0) -> dict:
    key = jax.random.key(seed)
    k1, k2, k3, k4, k5 = jax.random.split(key, 5)
    xy = jax.random.uniform(k1, (B, N, 2), minval=-50.0, maxval=50.0)
    z = jax.random.uniform(k2, (B, N, 1), minval=-3.0, maxval=1.0)
    dims = jax.random.uniform(k3, (B, N, 3), minval=1.0, maxval=5.0)
    ry = jax.random.uniform(k4, (B, N, 1), minval=0.0, maxval=2.0 * np.pi)
    batch_box_preds = jnp.concatenate([xy, z, dims, ry], axis=-1).astype(jnp.float32)
    batch_cls_preds = jax.random.normal(k5, (B, N, C), dtype=jnp.float32)
    return {"batch_box_preds": batch_box_preds, "batch_cls_preds": batch_cls_preds}


def _aabb(bx):
    # axis-aligned BEV bounding box enclosing the rotated box (standard NMS approximation)
    x, y = bx[:, 0], bx[:, 1]
    dx, dy, ry = bx[:, 3], bx[:, 4], bx[:, 6]
    c, s = jnp.abs(jnp.cos(ry)), jnp.abs(jnp.sin(ry))
    hx = (dx * c + dy * s) * 0.5
    hy = (dx * s + dy * c) * 0.5
    return jnp.stack([x - hx, y - hy, x + hx, y + hy], axis=-1)


def _pairwise_iou(a):
    x1 = jnp.maximum(a[:, None, 0], a[None, :, 0])
    y1 = jnp.maximum(a[:, None, 1], a[None, :, 1])
    x2 = jnp.minimum(a[:, None, 2], a[None, :, 2])
    y2 = jnp.minimum(a[:, None, 3], a[None, :, 3])
    inter = jnp.clip(x2 - x1, 0.0) * jnp.clip(y2 - y1, 0.0)
    area = (a[:, 2] - a[:, 0]) * (a[:, 3] - a[:, 1])
    union = area[:, None] + area[None, :] - inter
    return inter / (union + 1e-6)


def _nms_single(boxes, scores, labels):
    # class-agnostic NMS: top-PRE prefilter, greedy suppression, top-POST output
    sc, idx = lax.top_k(scores, PRE)
    bx = jnp.take(boxes, idx, axis=0)
    lb = jnp.take(labels, idx, axis=0)
    iou = lax.stop_gradient(_pairwise_iou(_aabb(bx)))
    ar = jnp.arange(PRE)

    def body(i, keep):
        supp = (iou[i] > TH) & (ar > i) & keep[i]
        return keep & (~supp)

    keep = lax.fori_loop(0, PRE, body, jnp.ones((PRE,), dtype=bool))
    masked = jnp.where(keep, sc, -jnp.inf)
    sel_sc, sel = lax.top_k(masked, POST)
    valid = sel_sc > -jnp.inf
    rois = jnp.where(valid[:, None], jnp.take(bx, sel, axis=0), 0.0)
    roi_scores = jnp.where(valid, sel_sc, 0.0)
    roi_labels = jnp.where(valid, jnp.take(lb, sel, axis=0), 0) + 1
    return rois, roi_scores, roi_labels


def reference(batch_box_preds, batch_cls_preds):
    # proposal_layer: per-scene max over classes, then class-agnostic NMS, padded to POST rois
    cur_scores = jnp.max(batch_cls_preds, axis=-1)
    cur_labels = jnp.argmax(batch_cls_preds, axis=-1)
    rois, roi_scores, roi_labels = jax.vmap(_nms_single)(batch_box_preds, cur_scores, cur_labels)
    return rois, roi_scores, roi_labels

if __name__ == "__main__":
    import jax
    _d = setup_inputs()
    print(jax.jit(kernel)(*tuple(_d.values())))

</pallas_src>

<mosaic_0001>
#map = affine_map<(d0, d1) -> (0, 0)>
module attributes {stable_mosaic.version = 14 : i64} {
  func.func @_compact(%arg0: i32, %arg1: i32, %arg2: memref<4x20480xi32, #tpu.memory_space<hbm>>, %arg3: memref<4x20480xi32, #tpu.memory_space<hbm>>, %arg4: memref<4x20480xf32, #tpu.memory_space<hbm>>, %arg5: memref<4x1024xi32, #tpu.memory_space<hbm>>, %arg6: memref<4x1024xf32, #tpu.memory_space<hbm>>, %arg7: memref<20480xi32, #tpu.memory_space<vmem>>, %arg8: memref<20480xi32, #tpu.memory_space<vmem>>, %arg9: memref<20480xf32, #tpu.memory_space<vmem>>, %arg10: memref<1024xi32, #tpu.memory_space<vmem>>, %arg11: memref<1024xf32, #tpu.memory_space<vmem>>) attributes {dimension_semantics = [#tpu.dimension_semantics<core_parallel>, #tpu.dimension_semantics<subcore_parallel>], iteration_bounds = array<i64: 2, 16>, scalar_prefetch = 0 : i64, scratch_operands = 5 : i64, tpu.core_type = #tpu.core_type<sc_vector_subcore>, window_params = [{transform_indices = #map}, {transform_indices = #map}, {transform_indices = #map}, {transform_indices = #map}, {transform_indices = #map}]} {
    %mul3A = arith.constant 2 : i32
    %mul3A_0 = arith.muli %arg1, %mul3A : i32
    %add3A = arith.addi %mul3A_0, %arg0 : i32
    %lt3A = arith.constant 4 : i32
    %lt3A_1 = arith.cmpi slt, %add3A, %lt3A : i32
    %convert_element_type3A = arith.extui %lt3A_1 : i1 to i32
    %cond3A = arith.constant 0 : i32
    %cond3A_2 = arith.cmpi ne, %convert_element_type3A, %cond3A : i32
    scf.if %cond3A_2 {
      "tpu.region"() ({
        %run_scoped3A = tpu.sem_alloc : memref<!tpu.dma_semaphore, #tpu.memory_space<semaphore_mem>>
        %dma_start3A = arith.constant 0 : i32
        %dma_start3A_8 = tpu.memref_slice %arg2[%add3A, %dma_start3A] : memref<4x20480xi32, #tpu.memory_space<hbm>> -> memref<1x20480xi32, #tpu.memory_space<hbm>>
        %dma_start3A_9 = tpu.memref_squeeze %dma_start3A_8 : memref<1x20480xi32, #tpu.memory_space<hbm>> -> memref<20480xi32, #tpu.memory_space<hbm>>
        %dma_start3A_10 = arith.constant 0 : i32
        %dma_start3A_11 = tpu.memref_slice %arg2[%add3A, %dma_start3A_10] : memref<4x20480xi32, #tpu.memory_space<hbm>> -> memref<1x20480xi32, #tpu.memory_space<hbm>>
        %dma_start3A_12 = tpu.memref_squeeze %dma_start3A_11 : memref<1x20480xi32, #tpu.memory_space<hbm>> -> memref<20480xi32, #tpu.memory_space<hbm>>
        tpu.enqueue_dma source(%dma_start3A_12 : memref<20480xi32, #tpu.memory_space<hbm>>) target(%arg7 : memref<20480xi32, #tpu.memory_space<vmem>>) target_semaphore(%run_scoped3A : memref<!tpu.dma_semaphore, #tpu.memory_space<semaphore_mem>>)
        %dma_wait3A = arith.constant 0 : i32
        %dma_wait3A_13 = tpu.memref_slice %arg2[%add3A, %dma_wait3A] : memref<4x20480xi32, #tpu.memory_space<hbm>> -> memref<1x20480xi32, #tpu.memory_space<hbm>>
        %dma_wait3A_14 = tpu.memref_squeeze %dma_wait3A_13 : memref<1x20480xi32, #tpu.memory_space<hbm>> -> memref<20480xi32, #tpu.memory_space<hbm>>
        %dma_wait3A_15 = arith.constant 0 : i32
        %dma_wait3A_16 = tpu.memref_slice %arg2[%add3A, %dma_wait3A_15] : memref<4x20480xi32, #tpu.memory_space<hbm>> -> memref<1x20480xi32, #tpu.memory_space<hbm>>
        %dma_wait3A_17 = tpu.memref_squeeze %dma_wait3A_16 : memref<1x20480xi32, #tpu.memory_space<hbm>> -> memref<20480xi32, #tpu.memory_space<hbm>>
        tpu.wait_dma2 semaphore(%run_scoped3A : memref<!tpu.dma_semaphore, #tpu.memory_space<semaphore_mem>>) src(%dma_wait3A_17 : memref<20480xi32, #tpu.memory_space<hbm>>) dst(%arg7 : memref<20480xi32, #tpu.memory_space<vmem>>)
        tpu.yield
      }) : () -> ()
      "tpu.region"() ({
        %run_scoped3A = tpu.sem_alloc : memref<!tpu.dma_semaphore, #tpu.memory_space<semaphore_mem>>
        %dma_start3A = arith.constant 0 : i32
        %dma_start3A_8 = tpu.memref_slice %arg3[%add3A, %dma_start3A] : memref<4x20480xi32, #tpu.memory_space<hbm>> -> memref<1x20480xi32, #tpu.memory_space<hbm>>
        %dma_start3A_9 = tpu.memref_squeeze %dma_start3A_8 : memref<1x20480xi32, #tpu.memory_space<hbm>> -> memref<20480xi32, #tpu.memory_space<hbm>>
        %dma_start3A_10 = arith.constant 0 : i32
        %dma_start3A_11 = tpu.memref_slice %arg3[%add3A, %dma_start3A_10] : memref<4x20480xi32, #tpu.memory_space<hbm>> -> memref<1x20480xi32, #tpu.memory_space<hbm>>
        %dma_start3A_12 = tpu.memref_squeeze %dma_start3A_11 : memref<1x20480xi32, #tpu.memory_space<hbm>> -> memref<20480xi32, #tpu.memory_space<hbm>>
        tpu.enqueue_dma source(%dma_start3A_12 : memref<20480xi32, #tpu.memory_space<hbm>>) target(%arg8 : memref<20480xi32, #tpu.memory_space<vmem>>) target_semaphore(%run_scoped3A : memref<!tpu.dma_semaphore, #tpu.memory_space<semaphore_mem>>)
        %dma_wait3A = arith.constant 0 : i32
        %dma_wait3A_13 = tpu.memref_slice %arg3[%add3A, %dma_wait3A] : memref<4x20480xi32, #tpu.memory_space<hbm>> -> memref<1x20480xi32, #tpu.memory_space<hbm>>
        %dma_wait3A_14 = tpu.memref_squeeze %dma_wait3A_13 : memref<1x20480xi32, #tpu.memory_space<hbm>> -> memref<20480xi32, #tpu.memory_space<hbm>>
        %dma_wait3A_15 = arith.constant 0 : i32
        %dma_wait3A_16 = tpu.memref_slice %arg3[%add3A, %dma_wait3A_15] : memref<4x20480xi32, #tpu.memory_space<hbm>> -> memref<1x20480xi32, #tpu.memory_space<hbm>>
        %dma_wait3A_17 = tpu.memref_squeeze %dma_wait3A_16 : memref<1x20480xi32, #tpu.memory_space<hbm>> -> memref<20480xi32, #tpu.memory_space<hbm>>
        tpu.wait_dma2 semaphore(%run_scoped3A : memref<!tpu.dma_semaphore, #tpu.memory_space<semaphore_mem>>) src(%dma_wait3A_17 : memref<20480xi32, #tpu.memory_space<hbm>>) dst(%arg8 : memref<20480xi32, #tpu.memory_space<vmem>>)
        tpu.yield
      }) : () -> ()
      "tpu.region"() ({
        %run_scoped3A = tpu.sem_alloc : memref<!tpu.dma_semaphore, #tpu.memory_space<semaphore_mem>>
        %dma_start3A = arith.constant 0 : i32
        %dma_start3A_8 = tpu.memref_slice %arg4[%add3A, %dma_start3A] : memref<4x20480xf32, #tpu.memory_space<hbm>> -> memref<1x20480xf32, #tpu.memory_space<hbm>>
        %dma_start3A_9 = tpu.memref_squeeze %dma_start3A_8 : memref<1x20480xf32, #tpu.memory_space<hbm>> -> memref<20480xf32, #tpu.memory_space<hbm>>
        %dma_start3A_10 = arith.constant 0 : i32
        %dma_start3A_11 = tpu.memref_slice %arg4[%add3A, %dma_start3A_10] : memref<4x20480xf32, #tpu.memory_space<hbm>> -> memref<1x20480xf32, #tpu.memory_space<hbm>>
        %dma_start3A_12 = tpu.memref_squeeze %dma_start3A_11 : memref<1x20480xf32, #tpu.memory_space<hbm>> -> memref<20480xf32, #tpu.memory_space<hbm>>
        tpu.enqueue_dma source(%dma_start3A_12 : memref<20480xf32, #tpu.memory_space<hbm>>) target(%arg9 : memref<20480xf32, #tpu.memory_space<vmem>>) target_semaphore(%run_scoped3A : memref<!tpu.dma_semaphore, #tpu.memory_space<semaphore_mem>>)
        %dma_wait3A = arith.constant 0 : i32
        %dma_wait3A_13 = tpu.memref_slice %arg4[%add3A, %dma_wait3A] : memref<4x20480xf32, #tpu.memory_space<hbm>> -> memref<1x20480xf32, #tpu.memory_space<hbm>>
        %dma_wait3A_14 = tpu.memref_squeeze %dma_wait3A_13 : memref<1x20480xf32, #tpu.memory_space<hbm>> -> memref<20480xf32, #tpu.memory_space<hbm>>
        %dma_wait3A_15 = arith.constant 0 : i32
        %dma_wait3A_16 = tpu.memref_slice %arg4[%add3A, %dma_wait3A_15] : memref<4x20480xf32, #tpu.memory_space<hbm>> -> memref<1x20480xf32, #tpu.memory_space<hbm>>
        %dma_wait3A_17 = tpu.memref_squeeze %dma_wait3A_16 : memref<1x20480xf32, #tpu.memory_space<hbm>> -> memref<20480xf32, #tpu.memory_space<hbm>>
        tpu.wait_dma2 semaphore(%run_scoped3A : memref<!tpu.dma_semaphore, #tpu.memory_space<semaphore_mem>>) src(%dma_wait3A_17 : memref<20480xf32, #tpu.memory_space<hbm>>) dst(%arg9 : memref<20480xf32, #tpu.memory_space<vmem>>)
        tpu.yield
      }) : () -> ()
      %scan3A = arith.constant 0 : i32
      %scan3A_3 = arith.constant 0 : i32
      %scan3A_4 = arith.constant 1280 : i32
      %scan3A_5 = arith.addi %scan3A_3, %scan3A_4 : i32
      %scan3A_6 = arith.constant 1 : i32
      scf.for %scan3A_8 = %scan3A_3 to %scan3A_5 step %scan3A_6  : i32 {
        %mul3A_9 = arith.constant 16 : i32
        %mul3A_10 = arith.muli %scan3A_8, %mul3A_9 : i32
        %get3A = arith.index_cast %mul3A_10 : i32 to index
        %get3A_11 = tpu.vector_load %arg7[%get3A] {strides = array<i32>} : memref<20480xi32, #tpu.memory_space<vmem>>, vector<16xi32>,
        %lt3A_12 = arith.constant 1024 : i32
        %lt3A_13 = vector.broadcast %lt3A_12 : i32 to vector<16xi32>
        %lt3A_14 = arith.cmpi slt, %get3A_11, %lt3A_13 : vector<16xi32>
        %get3A_15 = arith.index_cast %mul3A_10 : i32 to index
        %get3A_16 = tpu.vector_load %arg8[%get3A_15] {strides = array<i32>} : memref<20480xi32, #tpu.memory_space<vmem>>, vector<16xi32>,
        tpu.vector_store_idx %arg10[%get3A_11], %get3A_16 masked %lt3A_14 : memref<1024xi32, #tpu.memory_space<vmem>>[vector<16xi32>], vector<16xi32>, vector<16xi1>
        %get3A_17 = arith.index_cast %mul3A_10 : i32 to index
        %get3A_18 = tpu.vector_load %arg9[%get3A_17] {strides = array<i32>} : memref<20480xf32, #tpu.memory_space<vmem>>, vector<16xf32>,
        tpu.vector_store_idx %arg11[%get3A_11], %get3A_18 masked %lt3A_14 : memref<1024xf32, #tpu.memory_space<vmem>>[vector<16xi32>], vector<16xf32>, vector<16xi1>
      }
      %scan3A_7 = arith.constant 1280 : i32
      "tpu.region"() ({
        %run_scoped3A = tpu.sem_alloc : memref<!tpu.dma_semaphore, #tpu.memory_space<semaphore_mem>>
        %dma_start3A = arith.constant 0 : i32
        %dma_start3A_8 = tpu.memref_slice %arg5[%add3A, %dma_start3A] : memref<4x1024xi32, #tpu.memory_space<hbm>> -> memref<1x1024xi32, #tpu.memory_space<hbm>>
        %dma_start3A_9 = tpu.memref_squeeze %dma_start3A_8 : memref<1x1024xi32, #tpu.memory_space<hbm>> -> memref<1024xi32, #tpu.memory_space<hbm>>
        %dma_start3A_10 = arith.constant 0 : i32
        %dma_start3A_11 = tpu.memref_slice %arg5[%add3A, %dma_start3A_10] : memref<4x1024xi32, #tpu.memory_space<hbm>> -> memref<1x1024xi32, #tpu.memory_space<hbm>>
        %dma_start3A_12 = tpu.memref_squeeze %dma_start3A_11 : memref<1x1024xi32, #tpu.memory_space<hbm>> -> memref<1024xi32, #tpu.memory_space<hbm>>
        tpu.enqueue_dma source(%arg10 : memref<1024xi32, #tpu.memory_space<vmem>>) target(%dma_start3A_12 : memref<1024xi32, #tpu.memory_space<hbm>>) target_semaphore(%run_scoped3A : memref<!tpu.dma_semaphore, #tpu.memory_space<semaphore_mem>>)
        %dma_wait3A = arith.constant 0 : i32
        %dma_wait3A_13 = tpu.memref_slice %arg5[%add3A, %dma_wait3A] : memref<4x1024xi32, #tpu.memory_space<hbm>> -> memref<1x1024xi32, #tpu.memory_space<hbm>>
        %dma_wait3A_14 = tpu.memref_squeeze %dma_wait3A_13 : memref<1x1024xi32, #tpu.memory_space<hbm>> -> memref<1024xi32, #tpu.memory_space<hbm>>
        %dma_wait3A_15 = arith.constant 0 : i32
        %dma_wait3A_16 = tpu.memref_slice %arg5[%add3A, %dma_wait3A_15] : memref<4x1024xi32, #tpu.memory_space<hbm>> -> memref<1x1024xi32, #tpu.memory_space<hbm>>
        %dma_wait3A_17 = tpu.memref_squeeze %dma_wait3A_16 : memref<1x1024xi32, #tpu.memory_space<hbm>> -> memref<1024xi32, #tpu.memory_space<hbm>>
        tpu.wait_dma2 semaphore(%run_scoped3A : memref<!tpu.dma_semaphore, #tpu.memory_space<semaphore_mem>>) src(%arg10 : memref<1024xi32, #tpu.memory_space<vmem>>) dst(%dma_wait3A_17 : memref<1024xi32, #tpu.memory_space<hbm>>)
        tpu.yield
      }) : () -> ()
      "tpu.region"() ({
        %run_scoped3A = tpu.sem_alloc : memref<!tpu.dma_semaphore, #tpu.memory_space<semaphore_mem>>
        %dma_start3A = arith.constant 0 : i32
        %dma_start3A_8 = tpu.memref_slice %arg6[%add3A, %dma_start3A] : memref<4x1024xf32, #tpu.memory_space<hbm>> -> memref<1x1024xf32, #tpu.memory_space<hbm>>
        %dma_start3A_9 = tpu.memref_squeeze %dma_start3A_8 : memref<1x1024xf32, #tpu.memory_space<hbm>> -> memref<1024xf32, #tpu.memory_space<hbm>>
        %dma_start3A_10 = arith.constant 0 : i32
        %dma_start3A_11 = tpu.memref_slice %arg6[%add3A, %dma_start3A_10] : memref<4x1024xf32, #tpu.memory_space<hbm>> -> memref<1x1024xf32, #tpu.memory_space<hbm>>
        %dma_start3A_12 = tpu.memref_squeeze %dma_start3A_11 : memref<1x1024xf32, #tpu.memory_space<hbm>> -> memref<1024xf32, #tpu.memory_space<hbm>>
        tpu.enqueue_dma source(%arg11 : memref<1024xf32, #tpu.memory_space<vmem>>) target(%dma_start3A_12 : memref<1024xf32, #tpu.memory_space<hbm>>) target_semaphore(%run_scoped3A : memref<!tpu.dma_semaphore, #tpu.memory_space<semaphore_mem>>)
        %dma_wait3A = arith.constant 0 : i32
        %dma_wait3A_13 = tpu.memref_slice %arg6[%add3A, %dma_wait3A] : memref<4x1024xf32, #tpu.memory_space<hbm>> -> memref<1x1024xf32, #tpu.memory_space<hbm>>
        %dma_wait3A_14 = tpu.memref_squeeze %dma_wait3A_13 : memref<1x1024xf32, #tpu.memory_space<hbm>> -> memref<1024xf32, #tpu.memory_space<hbm>>
        %dma_wait3A_15 = arith.constant 0 : i32
        %dma_wait3A_16 = tpu.memref_slice %arg6[%add3A, %dma_wait3A_15] : memref<4x1024xf32, #tpu.memory_space<hbm>> -> memref<1x1024xf32, #tpu.memory_space<hbm>>
        %dma_wait3A_17 = tpu.memref_squeeze %dma_wait3A_16 : memref<1x1024xf32, #tpu.memory_space<hbm>> -> memref<1024xf32, #tpu.memory_space<hbm>>
        tpu.wait_dma2 semaphore(%run_scoped3A : memref<!tpu.dma_semaphore, #tpu.memory_space<semaphore_mem>>) src(%arg11 : memref<1024xf32, #tpu.memory_space<vmem>>) dst(%dma_wait3A_17 : memref<1024xf32, #tpu.memory_space<hbm>>)
        tpu.yield
      }) : () -> ()
    } else {
    }
    return
  }
}

module attributes {stable_mosaic.version = 14 : i64} {
  func.func @_select_body(%arg0: i32, %arg1: memref<1x3x160x128xf32, #tpu.memory_space<vmem>>, %arg2: memref<1x160x128xf32, #tpu.memory_space<vmem>>, %arg3: memref<1x160x128xi32, #tpu.memory_space<vmem>>, %arg4: memref<1x160x128xi32, #tpu.memory_space<vmem>>) attributes {dimension_semantics = [#tpu.dimension_semantics<arbitrary>], iteration_bounds = array<i64: 4>, scalar_prefetch = 0 : i64, scratch_operands = 0 : i64, tpu.core_type = #tpu.core_type<tc>, window_params = [{transform_indices = @transform_0, window_bounds = array<i64: 1, 3, 160, 128>}, {transform_indices = @transform_1, window_bounds = array<i64: 1, 160, 128>}, {transform_indices = @transform_2, window_bounds = array<i64: 1, 160, 128>}, {transform_indices = @transform_3, window_bounds = array<i64: 1, 160, 128>}]} {
    %get3A = arith.constant 0 : index
    %get3A_0 = arith.constant 0 : index
    %get3A_1 = arith.constant 0 : index
    %get3A_2 = arith.constant 0 : index
    %get3A_3 = vector.load %arg1[%get3A, %get3A_0, %get3A_1, %get3A_2] : memref<1x3x160x128xf32, #tpu.memory_space<vmem>>, vector<1x1x160x128xf32>
    %get3A_4 = vector.shape_cast %get3A_3 : vector<1x1x160x128xf32> to vector<160x128xf32>
    %get3A_5 = arith.constant 0 : index
    %get3A_6 = arith.constant 1 : index
    %get3A_7 = arith.constant 0 : index
    %get3A_8 = arith.constant 0 : index
    %get3A_9 = vector.load %arg1[%get3A_5, %get3A_6, %get3A_7, %get3A_8] : memref<1x3x160x128xf32, #tpu.memory_space<vmem>>, vector<1x1x160x128xf32>
    %get3A_10 = vector.shape_cast %get3A_9 : vector<1x1x160x128xf32> to vector<160x128xf32>
    %get3A_11 = arith.constant 0 : index
    %get3A_12 = arith.constant 2 : index
    %get3A_13 = arith.constant 0 : index
    %get3A_14 = arith.constant 0 : index
    %get3A_15 = vector.load %arg1[%get3A_11, %get3A_12, %get3A_13, %get3A_14] : memref<1x3x160x128xf32, #tpu.memory_space<vmem>>, vector<1x1x160x128xf32>
    %get3A_16 = vector.shape_cast %get3A_15 : vector<1x1x160x128xf32> to vector<160x128xf32>
    %max3A = arith.maximumf %get3A_4, %get3A_10 : vector<160x128xf32>
    %max3A_17 = arith.maximumf %max3A, %get3A_16 : vector<160x128xf32>
    %ge3A = arith.cmpf oge, %get3A_4, %get3A_10 : vector<160x128xf32>
    %ge3A_18 = arith.cmpf oge, %get3A_4, %get3A_16 : vector<160x128xf32>
    %and3A = arith.andi %ge3A, %ge3A_18 : vector<160x128xi1>
    %ge3A_19 = arith.cmpf oge, %get3A_10, %get3A_16 : vector<160x128xf32>
    %jit3A = arith.constant 1 : i32
    %jit3A_20 = arith.constant 2 : i32
    %broadcast_in_dim3A = vector.broadcast %jit3A : i32 to vector<160x128xi32>
    %broadcast_in_dim3A_21 = vector.broadcast %jit3A_20 : i32 to vector<160x128xi32>
    %select_n3A = arith.select %ge3A_19, %broadcast_in_dim3A, %broadcast_in_dim3A_21 : vector<160x128xi1>, vector<160x128xi32>
    %jit3A_22 = arith.constant 0 : i32
    %broadcast_in_dim3A_23 = vector.broadcast %jit3A_22 : i32 to vector<160x128xi32>
    %select_n3A_24 = arith.select %and3A, %broadcast_in_dim3A_23, %select_n3A : vector<160x128xi1>, vector<160x128xi32>
    %bitcast_convert_type3A = tpu.bitcast %max3A_17 : vector<160x128xf32> -> vector<160x128xi32>
    %ge3A_25 = arith.constant 0 : i32
    %ge3A_26 = vector.broadcast %ge3A_25 : i32 to vector<160x128xi32>
    %ge3A_27 = arith.cmpi sge, %bitcast_convert_type3A, %ge3A_26 : vector<160x128xi32>
    %xor3A = arith.constant 2147483647 : i32
    %xor3A_28 = vector.broadcast %xor3A : i32 to vector<160x128xi32>
    %xor3A_29 = arith.xori %bitcast_convert_type3A, %xor3A_28 : vector<160x128xi32>
    %select_n3A_30 = arith.select %ge3A_27, %bitcast_convert_type3A, %xor3A_29 : vector<160x128xi1>, vector<160x128xi32>
    %bitcast_convert_type3A_31 = tpu.bitcast %select_n3A_30 : vector<160x128xi32> -> vector<160x128xi32>
    %xor3A_32 = arith.constant -2147483648 : i32
    %xor3A_33 = vector.broadcast %xor3A_32 : i32 to vector<160x128xi32>
    %xor3A_34 = arith.xori %bitcast_convert_type3A_31, %xor3A_33 : vector<160x128xi32>
    %iota3A = tpu.iota {dimensions = array<i32: 0>} : vector<160x128xi32>
    %iota3A_35 = tpu.iota {dimensions = array<i32: 1>} : vector<160x128xi32>
    %mul3A = arith.constant 128 : i32
    %mul3A_36 = vector.broadcast %mul3A : i32 to vector<160x128xi32>
    %mul3A_37 = arith.muli %iota3A, %mul3A_36 : vector<160x128xi32>
    %add3A = arith.addi %mul3A_37, %iota3A_35 : vector<160x128xi32>
    %lt3A = arith.constant 20000 : i32
    %lt3A_38 = vector.broadcast %lt3A : i32 to vector<160x128xi32>
    %lt3A_39 = arith.cmpi slt, %add3A, %lt3A_38 : vector<160x128xi32>
    %jit3A_40 = arith.constant 0 : i32
    %broadcast_in_dim3A_41 = vector.broadcast %jit3A_40 : i32 to vector<160x128xi32>
    %select_n3A_42 = arith.select %lt3A_39, %xor3A_34, %broadcast_in_dim3A_41 : vector<160x128xi1>, vector<160x128xi32>
    %scan3A = arith.constant 0 : i32
    %scan3A_43 = arith.constant -1 : i32
    %scan3A_44 = arith.constant 0 : i32
    %scan3A_45 = arith.constant 12 : i32
    %scan3A_46 = arith.addi %scan3A_44, %scan3A_45 : i32
    %scan3A_47 = arith.constant 1 : i32
    %scan3A_48:2 = scf.for %scan3A_111 = %scan3A_44 to %scan3A_46 step %scan3A_47 iter_args(%scan3A_112 = %scan3A, %scan3A_113 = %scan3A_43) -> (i32, i32)  : i32 {
      %sub3A_114 = arith.subi %scan3A_113, %scan3A_112 : i32
      %jit3A_115 = arith.constant 8 : i32
      %div3A = arith.divui %sub3A_114, %jit3A_115 : i32
      %max3A_116 = arith.constant 1 : i32
      %max3A_117 = arith.maxui %div3A, %max3A_116 : i32
      %mul3A_118 = arith.constant 1 : i32
      %mul3A_119 = arith.muli %max3A_117, %mul3A_118 : i32
      %add3A_120 = arith.addi %scan3A_112, %mul3A_119 : i32
      %ge3A_121 = vector.broadcast %add3A_120 : i32 to vector<160x128xi32>
      %ge3A_122 = arith.cmpi uge, %select_n3A_42, %ge3A_121 : vector<160x128xi32>
      %convert_element_type3A_123 = arith.extui %ge3A_122 : vector<160x128xi1> to vector<160x128xi32>
      %reduce_sum3A_124 = vector.shape_cast %convert_element_type3A_123 : vector<160x128xi32> to vector<1x160x128xi32>
      %reduce_sum3A_125 = arith.constant dense<0> : vector<1xi32>
      %reduce_sum3A_126 = vector.multi_reduction <add>, %reduce_sum3A_124, %reduce_sum3A_125 [1, 2] : vector<1x160x128xi32> to vector<1xi32>
      %reduce_sum3A_127 = vector.shape_cast %reduce_sum3A_126 : vector<1xi32> to vector<1x1x1xi32>
      %reduce_sum3A_128 = vector.extract %reduce_sum3A_127[0, 0, 0] : i32 from vector<1x1x1xi32>
      %ge3A_129 = arith.constant 1024 : i32
      %ge3A_130 = arith.cmpi sge, %reduce_sum3A_128, %ge3A_129 : i32
      %max3A_131 = arith.maxui %scan3A_112, %add3A_120 : i32
      %select_n3A_132 = arith.select %ge3A_130, %max3A_131, %scan3A_112 : i32
      %min3A = arith.minui %scan3A_113, %add3A_120 : i32
      %select_n3A_133 = arith.select %ge3A_130, %scan3A_113, %min3A : i32
      %mul3A_134 = arith.constant 2 : i32
      %mul3A_135 = arith.muli %max3A_117, %mul3A_134 : i32
      %add3A_136 = arith.addi %scan3A_112, %mul3A_135 : i32
      %ge3A_137 = vector.broadcast %add3A_136 : i32 to vector<160x128xi32>
      %ge3A_138 = arith.cmpi uge, %select_n3A_42, %ge3A_137 : vector<160x128xi32>
      %convert_element_type3A_139 = arith.extui %ge3A_138 : vector<160x128xi1> to vector<160x128xi32>
      %reduce_sum3A_140 = vector.shape_cast %convert_element_type3A_139 : vector<160x128xi32> to vector<1x160x128xi32>
      %reduce_sum3A_141 = arith.constant dense<0> : vector<1xi32>
      %reduce_sum3A_142 = vector.multi_reduction <add>, %reduce_sum3A_140, %reduce_sum3A_141 [1, 2] : vector<1x160x128xi32> to vector<1xi32>
      %reduce_sum3A_143 = vector.shape_cast %reduce_sum3A_142 : vector<1xi32> to vector<1x1x1xi32>
      %reduce_sum3A_144 = vector.extract %reduce_sum3A_143[0, 0, 0] : i32 from vector<1x1x1xi32>
      %ge3A_145 = arith.constant 1024 : i32
      %ge3A_146 = arith.cmpi sge, %reduce_sum3A_144, %ge3A_145 : i32
      %max3A_147 = arith.maxui %select_n3A_132, %add3A_136 : i32
      %select_n3A_148 = arith.select %ge3A_146, %max3A_147, %select_n3A_132 : i32
      %min3A_149 = arith.minui %select_n3A_133, %add3A_136 : i32
      %select_n3A_150 = arith.select %ge3A_146, %select_n3A_133, %min3A_149 : i32
      %mul3A_151 = arith.constant 3 : i32
      %mul3A_152 = arith.muli %max3A_117, %mul3A_151 : i32
      %add3A_153 = arith.addi %scan3A_112, %mul3A_152 : i32
      %ge3A_154 = vector.broadcast %add3A_153 : i32 to vector<160x128xi32>
      %ge3A_155 = arith.cmpi uge, %select_n3A_42, %ge3A_154 : vector<160x128xi32>
      %convert_element_type3A_156 = arith.extui %ge3A_155 : vector<160x128xi1> to vector<160x128xi32>
      %reduce_sum3A_157 = vector.shape_cast %convert_element_type3A_156 : vector<160x128xi32> to vector<1x160x128xi32>
      %reduce_sum3A_158 = arith.constant dense<0> : vector<1xi32>
      %reduce_sum3A_159 = vector.multi_reduction <add>, %reduce_sum3A_157, %reduce_sum3A_158 [1, 2] : vector<1x160x128xi32> to vector<1xi32>
      %reduce_sum3A_160 = vector.shape_cast %reduce_sum3A_159 : vector<1xi32> to vector<1x1x1xi32>
      %reduce_sum3A_161 = vector.extract %reduce_sum3A_160[0, 0, 0] : i32 from vector<1x1x1xi32>
      %ge3A_162 = arith.constant 1024 : i32
      %ge3A_163 = arith.cmpi sge, %reduce_sum3A_161, %ge3A_162 : i32
      %max3A_164 = arith.maxui %select_n3A_148, %add3A_153 : i32
      %select_n3A_165 = arith.select %ge3A_163, %max3A_164, %select_n3A_148 : i32
      %min3A_166 = arith.minui %select_n3A_150, %add3A_153 : i32
      %select_n3A_167 = arith.select %ge3A_163, %select_n3A_150, %min3A_166 : i32
      %mul3A_168 = arith.constant 4 : i32
      %mul3A_169 = arith.muli %max3A_117, %mul3A_168 : i32
      %add3A_170 = arith.addi %scan3A_112, %mul3A_169 : i32
      %ge3A_171 = vector.broadcast %add3A_170 : i32 to vector<160x128xi32>
      %ge3A_172 = arith.cmpi uge, %select_n3A_42, %ge3A_171 : vector<160x128xi32>
      %convert_element_type3A_173 = arith.extui %ge3A_172 : vector<160x128xi1> to vector<160x128xi32>
      %reduce_sum3A_174 = vector.shape_cast %convert_element_type3A_173 : vector<160x128xi32> to vector<1x160x128xi32>
      %reduce_sum3A_175 = arith.constant dense<0> : vector<1xi32>
      %reduce_sum3A_176 = vector.multi_reduction <add>, %reduce_sum3A_174, %reduce_sum3A_175 [1, 2] : vector<1x160x128xi32> to vector<1xi32>
      %reduce_sum3A_177 = vector.shape_cast %reduce_sum3A_176 : vector<1xi32> to vector<1x1x1xi32>
      %reduce_sum3A_178 = vector.extract %reduce_sum3A_177[0, 0, 0] : i32 from vector<1x1x1xi32>
      %ge3A_179 = arith.constant 1024 : i32
      %ge3A_180 = arith.cmpi sge, %reduce_sum3A_178, %ge3A_179 : i32
      %max3A_181 = arith.maxui %select_n3A_165, %add3A_170 : i32
      %select_n3A_182 = arith.select %ge3A_180, %max3A_181, %select_n3A_165 : i32
      %min3A_183 = arith.minui %select_n3A_167, %add3A_170 : i32
      %select_n3A_184 = arith.select %ge3A_180, %select_n3A_167, %min3A_183 : i32
      %mul3A_185 = arith.constant 5 : i32
      %mul3A_186 = arith.muli %max3A_117, %mul3A_185 : i32
      %add3A_187 = arith.addi %scan3A_112, %mul3A_186 : i32
      %ge3A_188 = vector.broadcast %add3A_187 : i32 to vector<160x128xi32>
      %ge3A_189 = arith.cmpi uge, %select_n3A_42, %ge3A_188 : vector<160x128xi32>
      %convert_element_type3A_190 = arith.extui %ge3A_189 : vector<160x128xi1> to vector<160x128xi32>
      %reduce_sum3A_191 = vector.shape_cast %convert_element_type3A_190 : vector<160x128xi32> to vector<1x160x128xi32>
      %reduce_sum3A_192 = arith.constant dense<0> : vector<1xi32>
      %reduce_sum3A_193 = vector.multi_reduction <add>, %reduce_sum3A_191, %reduce_sum3A_192 [1, 2] : vector<1x160x128xi32> to vector<1xi32>
      %reduce_sum3A_194 = vector.shape_cast %reduce_sum3A_193 : vector<1xi32> to vector<1x1x1xi32>
      %reduce_sum3A_195 = vector.extract %reduce_sum3A_194[0, 0, 0] : i32 from vector<1x1x1xi32>
      %ge3A_196 = arith.constant 1024 : i32
      %ge3A_197 = arith.cmpi sge, %reduce_sum3A_195, %ge3A_196 : i32
      %max3A_198 = arith.maxui %select_n3A_182, %add3A_187 : i32
      %select_n3A_199 = arith.select %ge3A_197, %max3A_198, %select_n3A_182 : i32
      %min3A_200 = arith.minui %select_n3A_184, %add3A_187 : i32
      %select_n3A_201 = arith.select %ge3A_197, %select_n3A_184, %min3A_200 : i32
      %mul3A_202 = arith.constant 6 : i32
      %mul3A_203 = arith.muli %max3A_117, %mul3A_202 : i32
      %add3A_204 = arith.addi %scan3A_112, %mul3A_203 : i32
      %ge3A_205 = vector.broadcast %add3A_204 : i32 to vector<160x128xi32>
      %ge3A_206 = arith.cmpi uge, %select_n3A_42, %ge3A_205 : vector<160x128xi32>
      %convert_element_type3A_207 = arith.extui %ge3A_206 : vector<160x128xi1> to vector<160x128xi32>
      %reduce_sum3A_208 = vector.shape_cast %convert_element_type3A_207 : vector<160x128xi32> to vector<1x160x128xi32>
      %reduce_sum3A_209 = arith.constant dense<0> : vector<1xi32>
      %reduce_sum3A_210 = vector.multi_reduction <add>, %reduce_sum3A_208, %reduce_sum3A_209 [1, 2] : vector<1x160x128xi32> to vector<1xi32>
      %reduce_sum3A_211 = vector.shape_cast %reduce_sum3A_210 : vector<1xi32> to vector<1x1x1xi32>
      %reduce_sum3A_212 = vector.extract %reduce_sum3A_211[0, 0, 0] : i32 from vector<1x1x1xi32>
      %ge3A_213 = arith.constant 1024 : i32
      %ge3A_214 = arith.cmpi sge, %reduce_sum3A_212, %ge3A_213 : i32
      %max3A_215 = arith.maxui %select_n3A_199, %add3A_204 : i32
      %select_n3A_216 = arith.select %ge3A_214, %max3A_215, %select_n3A_199 : i32
      %min3A_217 = arith.minui %select_n3A_201, %add3A_204 : i32
      %select_n3A_218 = arith.select %ge3A_214, %select_n3A_201, %min3A_217 : i32
      %mul3A_219 = arith.constant 7 : i32
      %mul3A_220 = arith.muli %max3A_117, %mul3A_219 : i32
      %add3A_221 = arith.addi %scan3A_112, %mul3A_220 : i32
      %ge3A_222 = vector.broadcast %add3A_221 : i32 to vector<160x128xi32>
      %ge3A_223 = arith.cmpi uge, %select_n3A_42, %ge3A_222 : vector<160x128xi32>
      %convert_element_type3A_224 = arith.extui %ge3A_223 : vector<160x128xi1> to vector<160x128xi32>
      %reduce_sum3A_225 = vector.shape_cast %convert_element_type3A_224 : vector<160x128xi32> to vector<1x160x128xi32>
      %reduce_sum3A_226 = arith.constant dense<0> : vector<1xi32>
      %reduce_sum3A_227 = vector.multi_reduction <add>, %reduce_sum3A_225, %reduce_sum3A_226 [1, 2] : vector<1x160x128xi32> to vector<1xi32>
      %reduce_sum3A_228 = vector.shape_cast %reduce_sum3A_227 : vector<1xi32> to vector<1x1x1xi32>
      %reduce_sum3A_229 = vector.extract %reduce_sum3A_228[0, 0, 0] : i32 from vector<1x1x1xi32>
      %ge3A_230 = arith.constant 1024 : i32
      %ge3A_231 = arith.cmpi sge, %reduce_sum3A_229, %ge3A_230 : i32
      %max3A_232 = arith.maxui %select_n3A_216, %add3A_221 : i32
      %select_n3A_233 = arith.select %ge3A_231, %max3A_232, %select_n3A_216 : i32
      %min3A_234 = arith.minui %select_n3A_218, %add3A_221 : i32
      %select_n3A_235 = arith.select %ge3A_231, %select_n3A_218, %min3A_234 : i32
      scf.yield %select_n3A_233, %select_n3A_235 : i32, i32
    }
    %gt3A = vector.broadcast %scan3A_48#0 : i32 to vector<160x128xi32>
    %gt3A_49 = arith.cmpi ugt, %select_n3A_42, %gt3A : vector<160x128xi32>
    %eq3A = vector.broadcast %scan3A_48#0 : i32 to vector<160x128xi32>
    %eq3A_50 = arith.cmpi eq, %select_n3A_42, %eq3A : vector<160x128xi32>
    %convert_element_type3A = arith.extui %gt3A_49 : vector<160x128xi1> to vector<160x128xi32>
    %reduce_sum3A = vector.shape_cast %convert_element_type3A : vector<160x128xi32> to vector<1x160x128xi32>
    %reduce_sum3A_51 = arith.constant dense<0> : vector<1xi32>
    %reduce_sum3A_52 = vector.multi_reduction <add>, %reduce_sum3A, %reduce_sum3A_51 [1, 2] : vector<1x160x128xi32> to vector<1xi32>
    %reduce_sum3A_53 = vector.shape_cast %reduce_sum3A_52 : vector<1xi32> to vector<1x1x1xi32>
    %reduce_sum3A_54 = vector.extract %reduce_sum3A_53[0, 0, 0] : i32 from vector<1x1x1xi32>
    %sub3A = arith.constant 1024 : i32
    %sub3A_55 = arith.subi %sub3A, %reduce_sum3A_54 : i32
    %scan3A_56 = arith.constant 0 : i32
    %scan3A_57 = arith.constant 20480 : i32
    %scan3A_58 = arith.constant 0 : i32
    %scan3A_59 = arith.constant 5 : i32
    %scan3A_60 = arith.addi %scan3A_58, %scan3A_59 : i32
    %scan3A_61 = arith.constant 1 : i32
    %scan3A_62:2 = scf.for %scan3A_111 = %scan3A_58 to %scan3A_60 step %scan3A_61 iter_args(%scan3A_112 = %scan3A_56, %scan3A_113 = %scan3A_57) -> (i32, i32)  : i32 {
      %sub3A_114 = arith.subi %scan3A_113, %scan3A_112 : i32
      %jit3A_115 = arith.constant 8 : i32
      %div3A = arith.divsi %sub3A_114, %jit3A_115 : i32
      %sign3A = arith.constant 0 : i32
      %sign3A_116 = arith.cmpi sgt, %sub3A_114, %sign3A : i32
      %sign3A_117 = arith.extui %sign3A_116 : i1 to i32
      %sign3A_118 = arith.constant 0 : i32
      %sign3A_119 = arith.cmpi slt, %sub3A_114, %sign3A_118 : i32
      %sign3A_120 = arith.extui %sign3A_119 : i1 to i32
      %sign3A_121 = arith.subi %sign3A_117, %sign3A_120 : i32
      %sign3A_122 = arith.constant 0 : i32
      %sign3A_123 = arith.cmpi sgt, %jit3A_115, %sign3A_122 : i32
      %sign3A_124 = arith.extui %sign3A_123 : i1 to i32
      %sign3A_125 = arith.constant 0 : i32
      %sign3A_126 = arith.cmpi slt, %jit3A_115, %sign3A_125 : i32
      %sign3A_127 = arith.extui %sign3A_126 : i1 to i32
      %sign3A_128 = arith.subi %sign3A_124, %sign3A_127 : i32
      %ne3A = arith.cmpi ne, %sign3A_121, %sign3A_128 : i32
      %rem3A = arith.remsi %sub3A_114, %jit3A_115 : i32
      %ne3A_129 = arith.constant 0 : i32
      %ne3A_130 = arith.cmpi ne, %rem3A, %ne3A_129 : i32
      %and3A_131 = arith.andi %ne3A, %ne3A_130 : i1
      %sub3A_132 = arith.constant 1 : i32
      %sub3A_133 = arith.subi %div3A, %sub3A_132 : i32
      %select_n3A_134 = arith.select %and3A_131, %sub3A_133, %div3A : i32
      %max3A_135 = arith.constant 1 : i32
      %max3A_136 = arith.maxsi %select_n3A_134, %max3A_135 : i32
      %mul3A_137 = arith.constant 1 : i32
      %mul3A_138 = arith.muli %max3A_136, %mul3A_137 : i32
      %add3A_139 = arith.addi %scan3A_112, %mul3A_138 : i32
      %lt3A_140 = vector.broadcast %add3A_139 : i32 to vector<160x128xi32>
      %lt3A_141 = arith.cmpi slt, %add3A, %lt3A_140 : vector<160x128xi32>
      %and3A_142 = arith.andi %eq3A_50, %lt3A_141 : vector<160x128xi1>
      %convert_element_type3A_143 = arith.extui %and3A_142 : vector<160x128xi1> to vector<160x128xi32>
      %reduce_sum3A_144 = vector.shape_cast %convert_element_type3A_143 : vector<160x128xi32> to vector<1x160x128xi32>
      %reduce_sum3A_145 = arith.constant dense<0> : vector<1xi32>
      %reduce_sum3A_146 = vector.multi_reduction <add>, %reduce_sum3A_144, %reduce_sum3A_145 [1, 2] : vector<1x160x128xi32> to vector<1xi32>
      %reduce_sum3A_147 = vector.shape_cast %reduce_sum3A_146 : vector<1xi32> to vector<1x1x1xi32>
      %reduce_sum3A_148 = vector.extract %reduce_sum3A_147[0, 0, 0] : i32 from vector<1x1x1xi32>
      %ge3A_149 = arith.cmpi sge, %reduce_sum3A_148, %sub3A_55 : i32
      %min3A = arith.minsi %scan3A_113, %add3A_139 : i32
      %select_n3A_150 = arith.select %ge3A_149, %min3A, %scan3A_113 : i32
      %max3A_151 = arith.maxsi %scan3A_112, %add3A_139 : i32
      %select_n3A_152 = arith.select %ge3A_149, %scan3A_112, %max3A_151 : i32
      %mul3A_153 = arith.constant 2 : i32
      %mul3A_154 = arith.muli %max3A_136, %mul3A_153 : i32
      %add3A_155 = arith.addi %scan3A_112, %mul3A_154 : i32
      %lt3A_156 = vector.broadcast %add3A_155 : i32 to vector<160x128xi32>
      %lt3A_157 = arith.cmpi slt, %add3A, %lt3A_156 : vector<160x128xi32>
      %and3A_158 = arith.andi %eq3A_50, %lt3A_157 : vector<160x128xi1>
      %convert_element_type3A_159 = arith.extui %and3A_158 : vector<160x128xi1> to vector<160x128xi32>
      %reduce_sum3A_160 = vector.shape_cast %convert_element_type3A_159 : vector<160x128xi32> to vector<1x160x128xi32>
      %reduce_sum3A_161 = arith.constant dense<0> : vector<1xi32>
      %reduce_sum3A_162 = vector.multi_reduction <add>, %reduce_sum3A_160, %reduce_sum3A_161 [1, 2] : vector<1x160x128xi32> to vector<1xi32>
      %reduce_sum3A_163 = vector.shape_cast %reduce_sum3A_162 : vector<1xi32> to vector<1x1x1xi32>
      %reduce_sum3A_164 = vector.extract %reduce_sum3A_163[0, 0, 0] : i32 from vector<1x1x1xi32>
      %ge3A_165 = arith.cmpi sge, %reduce_sum3A_164, %sub3A_55 : i32
      %min3A_166 = arith.minsi %select_n3A_150, %add3A_155 : i32
      %select_n3A_167 = arith.select %ge3A_165, %min3A_166, %select_n3A_150 : i32
      %max3A_168 = arith.maxsi %select_n3A_152, %add3A_155 : i32
      %select_n3A_169 = arith.select %ge3A_165, %select_n3A_152, %max3A_168 : i32
      %mul3A_170 = arith.constant 3 : i32
      %mul3A_171 = arith.muli %max3A_136, %mul3A_170 : i32
      %add3A_172 = arith.addi %scan3A_112, %mul3A_171 : i32
      %lt3A_173 = vector.broadcast %add3A_172 : i32 to vector<160x128xi32>
      %lt3A_174 = arith.cmpi slt, %add3A, %lt3A_173 : vector<160x128xi32>
      %and3A_175 = arith.andi %eq3A_50, %lt3A_174 : vector<160x128xi1>
      %convert_element_type3A_176 = arith.extui %and3A_175 : vector<160x128xi1> to vector<160x128xi32>
      %reduce_sum3A_177 = vector.shape_cast %convert_element_type3A_176 : vector<160x128xi32> to vector<1x160x128xi32>
      %reduce_sum3A_178 = arith.constant dense<0> : vector<1xi32>
      %reduce_sum3A_179 = vector.multi_reduction <add>, %reduce_sum3A_177, %reduce_sum3A_178 [1, 2] : vector<1x160x128xi32> to vector<1xi32>
      %reduce_sum3A_180 = vector.shape_cast %reduce_sum3A_179 : vector<1xi32> to vector<1x1x1xi32>
      %reduce_sum3A_181 = vector.extract %reduce_sum3A_180[0, 0, 0] : i32 from vector<1x1x1xi32>
      %ge3A_182 = arith.cmpi sge, %reduce_sum3A_181, %sub3A_55 : i32
      %min3A_183 = arith.minsi %select_n3A_167, %add3A_172 : i32
      %select_n3A_184 = arith.select %ge3A_182, %min3A_183, %select_n3A_167 : i32
      %max3A_185 = arith.maxsi %select_n3A_169, %add3A_172 : i32
      %select_n3A_186 = arith.select %ge3A_182, %select_n3A_169, %max3A_185 : i32
      %mul3A_187 = arith.constant 4 : i32
      %mul3A_188 = arith.muli %max3A_136, %mul3A_187 : i32
      %add3A_189 = arith.addi %scan3A_112, %mul3A_188 : i32
      %lt3A_190 = vector.broadcast %add3A_189 : i32 to vector<160x128xi32>
      %lt3A_191 = arith.cmpi slt, %add3A, %lt3A_190 : vector<160x128xi32>
      %and3A_192 = arith.andi %eq3A_50, %lt3A_191 : vector<160x128xi1>
      %convert_element_type3A_193 = arith.extui %and3A_192 : vector<160x128xi1> to vector<160x128xi32>
      %reduce_sum3A_194 = vector.shape_cast %convert_element_type3A_193 : vector<160x128xi32> to vector<1x160x128xi32>
      %reduce_sum3A_195 = arith.constant dense<0> : vector<1xi32>
      %reduce_sum3A_196 = vector.multi_reduction <add>, %reduce_sum3A_194, %reduce_sum3A_195 [1, 2] : vector<1x160x128xi32> to vector<1xi32>
      %reduce_sum3A_197 = vector.shape_cast %reduce_sum3A_196 : vector<1xi32> to vector<1x1x1xi32>
      %reduce_sum3A_198 = vector.extract %reduce_sum3A_197[0, 0, 0] : i32 from vector<1x1x1xi32>
      %ge3A_199 = arith.cmpi sge, %reduce_sum3A_198, %sub3A_55 : i32
      %min3A_200 = arith.minsi %select_n3A_184, %add3A_189 : i32
      %select_n3A_201 = arith.select %ge3A_199, %min3A_200, %select_n3A_184 : i32
      %max3A_202 = arith.maxsi %select_n3A_186, %add3A_189 : i32
      %select_n3A_203 = arith.select %ge3A_199, %select_n3A_186, %max3A_202 : i32
      %mul3A_204 = arith.constant 5 : i32
      %mul3A_205 = arith.muli %max3A_136, %mul3A_204 : i32
      %add3A_206 = arith.addi %scan3A_112, %mul3A_205 : i32
      %lt3A_207 = vector.broadcast %add3A_206 : i32 to vector<160x128xi32>
      %lt3A_208 = arith.cmpi slt, %add3A, %lt3A_207 : vector<160x128xi32>
      %and3A_209 = arith.andi %eq3A_50, %lt3A_208 : vector<160x128xi1>
      %convert_element_type3A_210 = arith.extui %and3A_209 : vector<160x128xi1> to vector<160x128xi32>
      %reduce_sum3A_211 = vector.shape_cast %convert_element_type3A_210 : vector<160x128xi32> to vector<1x160x128xi32>
      %reduce_sum3A_212 = arith.constant dense<0> : vector<1xi32>
      %reduce_sum3A_213 = vector.multi_reduction <add>, %reduce_sum3A_211, %reduce_sum3A_212 [1, 2] : vector<1x160x128xi32> to vector<1xi32>
      %reduce_sum3A_214 = vector.shape_cast %reduce_sum3A_213 : vector<1xi32> to vector<1x1x1xi32>
      %reduce_sum3A_215 = vector.extract %reduce_sum3A_214[0, 0, 0] : i32 from vector<1x1x1xi32>
      %ge3A_216 = arith.cmpi sge, %reduce_sum3A_215, %sub3A_55 : i32
      %min3A_217 = arith.minsi %select_n3A_201, %add3A_206 : i32
      %select_n3A_218 = arith.select %ge3A_216, %min3A_217, %select_n3A_201 : i32
      %max3A_219 = arith.maxsi %select_n3A_203, %add3A_206 : i32
      %select_n3A_220 = arith.select %ge3A_216, %select_n3A_203, %max3A_219 : i32
      %mul3A_221 = arith.constant 6 : i32
      %mul3A_222 = arith.muli %max3A_136, %mul3A_221 : i32
      %add3A_223 = arith.addi %scan3A_112, %mul3A_222 : i32
      %lt3A_224 = vector.broadcast %add3A_223 : i32 to vector<160x128xi32>
      %lt3A_225 = arith.cmpi slt, %add3A, %lt3A_224 : vector<160x128xi32>
      %and3A_226 = arith.andi %eq3A_50, %lt3A_225 : vector<160x128xi1>
      %convert_element_type3A_227 = arith.extui %and3A_226 : vector<160x128xi1> to vector<160x128xi32>
      %reduce_sum3A_228 = vector.shape_cast %convert_element_type3A_227 : vector<160x128xi32> to vector<1x160x128xi32>
      %reduce_sum3A_229 = arith.constant dense<0> : vector<1xi32>
      %reduce_sum3A_230 = vector.multi_reduction <add>, %reduce_sum3A_228, %reduce_sum3A_229 [1, 2] : vector<1x160x128xi32> to vector<1xi32>
      %reduce_sum3A_231 = vector.shape_cast %reduce_sum3A_230 : vector<1xi32> to vector<1x1x1xi32>
      %reduce_sum3A_232 = vector.extract %reduce_sum3A_231[0, 0, 0] : i32 from vector<1x1x1xi32>
      %ge3A_233 = arith.cmpi sge, %reduce_sum3A_232, %sub3A_55 : i32
      %min3A_234 = arith.minsi %select_n3A_218, %add3A_223 : i32
      %select_n3A_235 = arith.select %ge3A_233, %min3A_234, %select_n3A_218 : i32
      %max3A_236 = arith.maxsi %select_n3A_220, %add3A_223 : i32
      %select_n3A_237 = arith.select %ge3A_233, %select_n3A_220, %max3A_236 : i32
      %mul3A_238 = arith.constant 7 : i32
      %mul3A_239 = arith.muli %max3A_136, %mul3A_238 : i32
      %add3A_240 = arith.addi %scan3A_112, %mul3A_239 : i32
      %lt3A_241 = vector.broadcast %add3A_240 : i32 to vector<160x128xi32>
      %lt3A_242 = arith.cmpi slt, %add3A, %lt3A_241 : vector<160x128xi32>
      %and3A_243 = arith.andi %eq3A_50, %lt3A_242 : vector<160x128xi1>
      %convert_element_type3A_244 = arith.extui %and3A_243 : vector<160x128xi1> to vector<160x128xi32>
      %reduce_sum3A_245 = vector.shape_cast %convert_element_type3A_244 : vector<160x128xi32> to vector<1x160x128xi32>
      %reduce_sum3A_246 = arith.constant dense<0> : vector<1xi32>
      %reduce_sum3A_247 = vector.multi_reduction <add>, %reduce_sum3A_245, %reduce_sum3A_246 [1, 2] : vector<1x160x128xi32> to vector<1xi32>
      %reduce_sum3A_248 = vector.shape_cast %reduce_sum3A_247 : vector<1xi32> to vector<1x1x1xi32>
      %reduce_sum3A_249 = vector.extract %reduce_sum3A_248[0, 0, 0] : i32 from vector<1x1x1xi32>
      %ge3A_250 = arith.cmpi sge, %reduce_sum3A_249, %sub3A_55 : i32
      %min3A_251 = arith.minsi %select_n3A_235, %add3A_240 : i32
      %select_n3A_252 = arith.select %ge3A_250, %min3A_251, %select_n3A_235 : i32
      %max3A_253 = arith.maxsi %select_n3A_237, %add3A_240 : i32
      %select_n3A_254 = arith.select %ge3A_250, %select_n3A_237, %max3A_253 : i32
      scf.yield %select_n3A_254, %select_n3A_252 : i32, i32
    }
    %lt3A_63 = vector.broadcast %scan3A_62#1 : i32 to vector<160x128xi32>
    %lt3A_64 = arith.cmpi slt, %add3A, %lt3A_63 : vector<160x128xi32>
    %and3A_65 = arith.andi %eq3A_50, %lt3A_64 : vector<160x128xi1>
    %or3A = arith.ori %gt3A_49, %and3A_65 : vector<160x128xi1>
    %convert_element_type3A_66 = arith.extui %or3A : vector<160x128xi1> to vector<160x128xi32>
    %convert_element_type3A_67 = arith.sitofp %convert_element_type3A_66 : vector<160x128xi32> to vector<160x128xf32>
    %iota3A_68 = tpu.iota {dimensions = array<i32: 1>} : vector<160x160xi32>
    %iota3A_69 = tpu.iota {dimensions = array<i32: 0>} : vector<160x160xi32>
    %lt3A_70 = arith.cmpi slt, %iota3A_68, %iota3A_69 : vector<160x160xi32>
    %convert_element_type3A_71 = arith.extui %lt3A_70 : vector<160x160xi1> to vector<160x160xi32>
    %convert_element_type3A_72 = arith.sitofp %convert_element_type3A_71 : vector<160x160xi32> to vector<160x160xf32>
    %iota3A_73 = tpu.iota {dimensions = array<i32: 0>} : vector<128x128xi32>
    %iota3A_74 = tpu.iota {dimensions = array<i32: 1>} : vector<128x128xi32>
    %lt3A_75 = arith.cmpi slt, %iota3A_73, %iota3A_74 : vector<128x128xi32>
    %convert_element_type3A_76 = arith.extui %lt3A_75 : vector<128x128xi1> to vector<128x128xi32>
    %convert_element_type3A_77 = arith.sitofp %convert_element_type3A_76 : vector<128x128xi32> to vector<128x128xf32>
    %reduce_sum3A_78 = arith.constant dense<0.000000e+00> : vector<160xf32>
    %reduce_sum3A_79 = vector.multi_reduction <add>, %convert_element_type3A_67, %reduce_sum3A_78 [1] : vector<160x128xf32> to vector<160xf32>
    %broadcast_in_dim3A_80 = vector.shape_cast %reduce_sum3A_79 : vector<160xf32> to vector<160x1xf32>
    %dot_general3A = arith.constant dense<0.000000e+00> : vector<160x1xf32>
    %dot_general3A_81 = tpu.matmul %convert_element_type3A_72, %broadcast_in_dim3A_80, %dot_general3A {dimension_numbers = #tpu.dot_dimension_numbers<[1], [0], [0], [1], [0, 0, 1, 1], [], []>, transpose_lhs_hint = false} : vector<160x160xf32>, vector<160x1xf32>, vector<160x1xf32> -> vector<160x1xf32>
    %dot_general3A_82 = arith.constant dense<0.000000e+00> : vector<160x128xf32>
    %dot_general3A_83 = tpu.matmul %convert_element_type3A_67, %convert_element_type3A_77, %dot_general3A_82 {dimension_numbers = #tpu.dot_dimension_numbers<[1], [0], [0], [1], [0, 0, 1, 1], [], []>, transpose_lhs_hint = false} : vector<160x128xf32>, vector<128x128xf32>, vector<160x128xf32> -> vector<160x128xf32>
    %add3A_84 = vector.broadcast %dot_general3A_81 : vector<160x1xf32> to vector<160x128xf32>
    %add3A_85 = arith.addf %add3A_84, %dot_general3A_83 : vector<160x128xf32>
    %convert_element_type3A_86 = arith.fptosi %add3A_85 : vector<160x128xf32> to vector<160x128xi32>
    %swap3A = arith.constant 0 : index
    %swap3A_87 = arith.constant 0 : index
    %swap3A_88 = arith.constant 0 : index
    %swap3A_89 = vector.load %arg2[%swap3A, %swap3A_87, %swap3A_88] : memref<1x160x128xf32, #tpu.memory_space<vmem>>, vector<1x160x128xf32>
    %swap3A_90 = vector.shape_cast %swap3A_89 : vector<1x160x128xf32> to vector<160x128xf32>
    %swap3A_91 = vector.shape_cast %max3A_17 : vector<160x128xf32> to vector<1x160x128xf32>
    tpu.vector_store %arg2[%swap3A, %swap3A_87, %swap3A_88], %swap3A_91 {strides = array<i32>} : memref<1x160x128xf32, #tpu.memory_space<vmem>>, vector<1x160x128xf32>,
    %mul3A_92 = arith.constant 32768 : i32
    %mul3A_93 = vector.broadcast %mul3A_92 : i32 to vector<160x128xi32>
    %mul3A_94 = arith.muli %select_n3A_24, %mul3A_93 : vector<160x128xi32>
    %add3A_95 = arith.addi %mul3A_94, %add3A : vector<160x128xi32>
    %swap3A_96 = arith.constant 0 : index
    %swap3A_97 = arith.constant 0 : index
    %swap3A_98 = arith.constant 0 : index
    %swap3A_99 = vector.load %arg3[%swap3A_96, %swap3A_97, %swap3A_98] : memref<1x160x128xi32, #tpu.memory_space<vmem>>, vector<1x160x128xi32>
    %swap3A_100 = vector.shape_cast %swap3A_99 : vector<1x160x128xi32> to vector<160x128xi32>
    %swap3A_101 = vector.shape_cast %add3A_95 : vector<160x128xi32> to vector<1x160x128xi32>
    tpu.vector_store %arg3[%swap3A_96, %swap3A_97, %swap3A_98], %swap3A_101 {strides = array<i32>} : memref<1x160x128xi32, #tpu.memory_space<vmem>>, vector<1x160x128xi32>,
    %jit3A_102 = arith.constant 1024 : i32
    %broadcast_in_dim3A_103 = vector.broadcast %jit3A_102 : i32 to vector<160x128xi32>
    %select_n3A_104 = arith.select %or3A, %convert_element_type3A_86, %broadcast_in_dim3A_103 : vector<160x128xi1>, vector<160x128xi32>
    %swap3A_105 = arith.constant 0 : index
    %swap3A_106 = arith.constant 0 : index
    %swap3A_107 = arith.constant 0 : index
    %swap3A_108 = vector.load %arg4[%swap3A_105, %swap3A_106, %swap3A_107] : memref<1x160x128xi32, #tpu.memory_space<vmem>>, vector<1x160x128xi32>
    %swap3A_109 = vector.shape_cast %swap3A_108 : vector<1x160x128xi32> to vector<160x128xi32>
    %swap3A_110 = vector.shape_cast %select_n3A_104 : vector<160x128xi32> to vector<1x160x128xi32>
    tpu.vector_store %arg4[%swap3A_105, %swap3A_106, %swap3A_107], %swap3A_110 {strides = array<i32>} : memref<1x160x128xi32, #tpu.memory_space<vmem>>, vector<1x160x128xi32>,
    return
  }
  func.func @transform_0(%arg0: i32) -> (i32, i32, i32, i32) {
    %c0_i32 = arith.constant 0 : i32
    %c0_i32_0 = arith.constant 0 : i32
    %c0_i32_1 = arith.constant 0 : i32
    %c0_i32_2 = arith.constant 0 : i32
    return %arg0, %c0_i32, %c0_i32_0, %c0_i32_1 : i32, i32, i32, i32
  }
  func.func @transform_1(%arg0: i32) -> (i32, i32, i32) {
    %c0_i32 = arith.constant 0 : i32
    %c0_i32_0 = arith.constant 0 : i32
    %c0_i32_1 = arith.constant 0 : i32
    return %arg0, %c0_i32, %c0_i32_0 : i32, i32, i32
  }
  func.func @transform_2(%arg0: i32) -> (i32, i32, i32) {
    %c0_i32 = arith.constant 0 : i32
    %c0_i32_0 = arith.constant 0 : i32
    %c0_i32_1 = arith.constant 0 : i32
    return %arg0, %c0_i32, %c0_i32_0 : i32, i32, i32
  }
  func.func @transform_3(%arg0: i32) -> (i32, i32, i32) {
    %c0_i32 = arith.constant 0 : i32
    %c0_i32_0 = arith.constant 0 : i32
    %c0_i32_1 = arith.constant 0 : i32
    return %arg0, %c0_i32, %c0_i32_0 : i32, i32, i32
  }
}

module attributes {stable_mosaic.version = 14 : i64} {
  func.func @_nms_body(%arg0: i32, %arg1: memref<1x1024x7xf32, #tpu.memory_space<vmem>>, %arg2: memref<1x1x1024xi32, #tpu.memory_space<vmem>>, %arg3: memref<1x1x1024xf32, #tpu.memory_space<vmem>>, %arg4: memref<1x512x16xf32, #tpu.memory_space<vmem>>) attributes {dimension_semantics = [#tpu.dimension_semantics<arbitrary>], iteration_bounds = array<i64: 4>, scalar_prefetch = 0 : i64, scratch_operands = 0 : i64, tpu.core_type = #tpu.core_type<tc>, window_params = [{transform_indices = @transform_0, window_bounds = array<i64: 1, 1024, 7>}, {transform_indices = @transform_1, window_bounds = array<i64: 1, 1, 1024>}, {transform_indices = @transform_2, window_bounds = array<i64: 1, 1, 1024>}, {transform_indices = @transform_3, window_bounds = array<i64: 1, 512, 16>}]} {
    %get3A = arith.constant 0 : index
    %get3A_0 = arith.constant 0 : index
    %get3A_1 = arith.constant 0 : index
    %get3A_2 = vector.load %arg3[%get3A, %get3A_0, %get3A_1] : memref<1x1x1024xf32, #tpu.memory_space<vmem>>, vector<1x1x1024xf32>
    %get3A_3 = vector.shape_cast %get3A_2 : vector<1x1x1024xf32> to vector<1x1024xf32>
    %get3A_4 = arith.constant 0 : index
    %get3A_5 = arith.constant 0 : index
    %get3A_6 = arith.constant 0 : index
    %get3A_7 = vector.load %arg2[%get3A_4, %get3A_5, %get3A_6] : memref<1x1x1024xi32, #tpu.memory_space<vmem>>, vector<1x1x1024xi32>
    %get3A_8 = vector.shape_cast %get3A_7 : vector<1x1x1024xi32> to vector<1x1024xi32>
    %jit3A = arith.constant 32768 : i32
    %eq3A = arith.constant 0 : i32
    %eq3A_9 = arith.cmpi eq, %jit3A, %eq3A : i32
    %jit3A_10 = arith.constant 1 : i32
    %select_n3A = arith.select %eq3A_9, %jit3A_10, %jit3A : i32
    %rem3A = vector.broadcast %select_n3A : i32 to vector<1x1024xi32>
    %rem3A_11 = arith.remsi %get3A_8, %rem3A : vector<1x1024xi32>
    %ne3A = arith.constant 0 : i32
    %ne3A_12 = vector.broadcast %ne3A : i32 to vector<1x1024xi32>
    %ne3A_13 = arith.cmpi ne, %rem3A_11, %ne3A_12 : vector<1x1024xi32>
    %lt3A = arith.constant 0 : i32
    %lt3A_14 = vector.broadcast %lt3A : i32 to vector<1x1024xi32>
    %lt3A_15 = arith.cmpi slt, %rem3A_11, %lt3A_14 : vector<1x1024xi32>
    %lt3A_16 = arith.constant 0 : i32
    %lt3A_17 = arith.cmpi slt, %select_n3A, %lt3A_16 : i32
    %ne3A_18 = vector.broadcast %lt3A_17 : i1 to vector<1x1024xi1>
    %ne3A_19 = vector.broadcast %ne3A_18 : vector<1x1024xi1> to vector<1x1024xi1>
    %ne3A_20 = arith.xori %lt3A_15, %ne3A_19 : vector<1x1024xi1>
    %and3A = arith.andi %ne3A_20, %ne3A_13 : vector<1x1024xi1>
    %add3A = vector.broadcast %select_n3A : i32 to vector<1x1024xi32>
    %add3A_21 = arith.addi %rem3A_11, %add3A : vector<1x1024xi32>
    %select_n3A_22 = arith.select %and3A, %add3A_21, %rem3A_11 : vector<1x1024xi1>, vector<1x1024xi32>
    %convert_element_type3A = arith.sitofp %select_n3A_22 : vector<1x1024xi32> to vector<1x1024xf32>
    %jit3A_23 = arith.constant 32768 : i32
    %div3A = vector.broadcast %jit3A_23 : i32 to vector<1x1024xi32>
    %div3A_24 = arith.divsi %get3A_8, %div3A : vector<1x1024xi32>
    %sign3A = arith.constant 0 : i32
    %sign3A_25 = vector.broadcast %sign3A : i32 to vector<1x1024xi32>
    %sign3A_26 = arith.cmpi sgt, %get3A_8, %sign3A_25 : vector<1x1024xi32>
    %sign3A_27 = arith.extui %sign3A_26 : vector<1x1024xi1> to vector<1x1024xi32>
    %sign3A_28 = arith.constant 0 : i32
    %sign3A_29 = vector.broadcast %sign3A_28 : i32 to vector<1x1024xi32>
    %sign3A_30 = arith.cmpi slt, %get3A_8, %sign3A_29 : vector<1x1024xi32>
    %sign3A_31 = arith.extui %sign3A_30 : vector<1x1024xi1> to vector<1x1024xi32>
    %sign3A_32 = arith.subi %sign3A_27, %sign3A_31 : vector<1x1024xi32>
    %sign3A_33 = arith.constant 0 : i32
    %sign3A_34 = arith.cmpi sgt, %jit3A_23, %sign3A_33 : i32
    %sign3A_35 = arith.extui %sign3A_34 : i1 to i32
    %sign3A_36 = arith.constant 0 : i32
    %sign3A_37 = arith.cmpi slt, %jit3A_23, %sign3A_36 : i32
    %sign3A_38 = arith.extui %sign3A_37 : i1 to i32
    %sign3A_39 = arith.subi %sign3A_35, %sign3A_38 : i32
    %ne3A_40 = vector.broadcast %sign3A_39 : i32 to vector<1x1024xi32>
    %ne3A_41 = arith.cmpi ne, %sign3A_32, %ne3A_40 : vector<1x1024xi32>
    %rem3A_42 = vector.broadcast %jit3A_23 : i32 to vector<1x1024xi32>
    %rem3A_43 = arith.remsi %get3A_8, %rem3A_42 : vector<1x1024xi32>
    %ne3A_44 = arith.constant 0 : i32
    %ne3A_45 = vector.broadcast %ne3A_44 : i32 to vector<1x1024xi32>
    %ne3A_46 = arith.cmpi ne, %rem3A_43, %ne3A_45 : vector<1x1024xi32>
    %and3A_47 = arith.andi %ne3A_41, %ne3A_46 : vector<1x1024xi1>
    %sub3A = arith.constant 1 : i32
    %sub3A_48 = vector.broadcast %sub3A : i32 to vector<1x1024xi32>
    %sub3A_49 = arith.subi %div3A_24, %sub3A_48 : vector<1x1024xi32>
    %select_n3A_50 = arith.select %and3A_47, %sub3A_49, %div3A_24 : vector<1x1024xi1>, vector<1x1024xi32>
    %convert_element_type3A_51 = arith.sitofp %select_n3A_50 : vector<1x1024xi32> to vector<1x1024xf32>
    %get3A_52 = arith.constant 0 : index
    %get3A_53 = arith.constant 0 : index
    %get3A_54 = arith.constant 0 : index
    %get3A_55 = vector.load %arg1[%get3A_52, %get3A_53, %get3A_54] : memref<1x1024x7xf32, #tpu.memory_space<vmem>>, vector<1x1024x7xf32>
    %get3A_56 = vector.shape_cast %get3A_55 : vector<1x1024x7xf32> to vector<1024x7xf32>
    %transpose3A = tpu.transpose %get3A_56, [1, 0] : vector<1024x7xf32> -> vector<7x1024xf32>
    %broadcast_in_dim3A = arith.constant 0.000000e+00 : f32
    %broadcast_in_dim3A_57 = vector.broadcast %broadcast_in_dim3A : f32 to vector<6x1024xf32>
    %concatenate3A = tpu.concatenate %transpose3A, %get3A_3, %convert_element_type3A_51, %convert_element_type3A, %broadcast_in_dim3A_57 in 0 : vector<7x1024xf32>, vector<1x1024xf32>, vector<1x1024xf32>, vector<1x1024xf32>, vector<6x1024xf32> -> vector<16x1024xf32>
    %transpose3A_58 = tpu.transpose %concatenate3A, [1, 0] : vector<16x1024xf32> -> vector<1024x16xf32>
    %slice3A = vector.extract_strided_slice %transpose3A_58 {offsets = [0, 7], sizes = [1024, 1], strides = [1, 1]} : vector<1024x16xf32> to vector<1024x1xf32>
    %slice3A_59 = vector.extract_strided_slice %transpose3A_58 {offsets = [0, 9], sizes = [1024, 1], strides = [1, 1]} : vector<1024x16xf32> to vector<1024x1xf32>
    %gt3A = vector.broadcast %slice3A : vector<1024x1xf32> to vector<1024x1024xf32>
    %gt3A_60 = vector.broadcast %get3A_3 : vector<1x1024xf32> to vector<1024x1024xf32>
    %gt3A_61 = arith.cmpf ogt, %gt3A, %gt3A_60 : vector<1024x1024xf32>
    %eq3A_62 = vector.broadcast %slice3A : vector<1024x1xf32> to vector<1024x1024xf32>
    %eq3A_63 = vector.broadcast %get3A_3 : vector<1x1024xf32> to vector<1024x1024xf32>
    %eq3A_64 = arith.cmpf oeq, %eq3A_62, %eq3A_63 : vector<1024x1024xf32>
    %lt3A_65 = vector.broadcast %slice3A_59 : vector<1024x1xf32> to vector<1024x1024xf32>
    %lt3A_66 = vector.broadcast %convert_element_type3A : vector<1x1024xf32> to vector<1024x1024xf32>
    %lt3A_67 = arith.cmpf olt, %lt3A_65, %lt3A_66 : vector<1024x1024xf32>
    %and3A_68 = arith.andi %eq3A_64, %lt3A_67 : vector<1024x1024xi1>
    %or3A = arith.ori %gt3A_61, %and3A_68 : vector<1024x1024xi1>
    %jit3A_69 = arith.constant 1.000000e+00 : f32
    %jit3A_70 = arith.constant 0.000000e+00 : f32
    %broadcast_in_dim3A_71 = vector.broadcast %jit3A_69 : f32 to vector<1024x1024xf32>
    %broadcast_in_dim3A_72 = vector.broadcast %jit3A_70 : f32 to vector<1024x1024xf32>
    %select_n3A_73 = arith.select %or3A, %broadcast_in_dim3A_71, %broadcast_in_dim3A_72 : vector<1024x1024xi1>, vector<1024x1024xf32>
    %slice3A_74 = vector.extract_strided_slice %concatenate3A {offsets = [0, 0], sizes = [1, 1024], strides = [1, 1]} : vector<16x1024xf32> to vector<1x1024xf32>
    %slice3A_75 = vector.extract_strided_slice %concatenate3A {offsets = [1, 0], sizes = [1, 1024], strides = [1, 1]} : vector<16x1024xf32> to vector<1x1024xf32>
    %slice3A_76 = vector.extract_strided_slice %concatenate3A {offsets = [3, 0], sizes = [1, 1024], strides = [1, 1]} : vector<16x1024xf32> to vector<1x1024xf32>
    %slice3A_77 = vector.extract_strided_slice %concatenate3A {offsets = [4, 0], sizes = [1, 1024], strides = [1, 1]} : vector<16x1024xf32> to vector<1x1024xf32>
    %slice3A_78 = vector.extract_strided_slice %concatenate3A {offsets = [6, 0], sizes = [1, 1024], strides = [1, 1]} : vector<16x1024xf32> to vector<1x1024xf32>
    %cos3A = math.cos %slice3A_78 : vector<1x1024xf32>
    %abs3A = math.absf %cos3A : vector<1x1024xf32>
    %sin3A = math.sin %slice3A_78 : vector<1x1024xf32>
    %abs3A_79 = math.absf %sin3A : vector<1x1024xf32>
    %mul3A = arith.mulf %slice3A_76, %abs3A : vector<1x1024xf32>
    %mul3A_80 = arith.mulf %slice3A_77, %abs3A_79 : vector<1x1024xf32>
    %add3A_81 = arith.addf %mul3A, %mul3A_80 : vector<1x1024xf32>
    %mul3A_82 = arith.constant 5.000000e-01 : f32
    %mul3A_83 = vector.broadcast %mul3A_82 : f32 to vector<1x1024xf32>
    %mul3A_84 = arith.mulf %add3A_81, %mul3A_83 : vector<1x1024xf32>
    %mul3A_85 = arith.mulf %slice3A_76, %abs3A_79 : vector<1x1024xf32>
    %mul3A_86 = arith.mulf %slice3A_77, %abs3A : vector<1x1024xf32>
    %add3A_87 = arith.addf %mul3A_85, %mul3A_86 : vector<1x1024xf32>
    %mul3A_88 = arith.constant 5.000000e-01 : f32
    %mul3A_89 = vector.broadcast %mul3A_88 : f32 to vector<1x1024xf32>
    %mul3A_90 = arith.mulf %add3A_87, %mul3A_89 : vector<1x1024xf32>
    %sub3A_91 = arith.subf %slice3A_74, %mul3A_84 : vector<1x1024xf32>
    %sub3A_92 = arith.subf %slice3A_75, %mul3A_90 : vector<1x1024xf32>
    %add3A_93 = arith.addf %slice3A_74, %mul3A_84 : vector<1x1024xf32>
    %add3A_94 = arith.addf %slice3A_75, %mul3A_90 : vector<1x1024xf32>
    %broadcast_in_dim3A_95 = arith.constant 0.000000e+00 : f32
    %broadcast_in_dim3A_96 = vector.broadcast %broadcast_in_dim3A_95 : f32 to vector<4x1024xf32>
    %concatenate3A_97 = tpu.concatenate %sub3A_91, %sub3A_92, %add3A_93, %add3A_94, %broadcast_in_dim3A_96 in 0 : vector<1x1024xf32>, vector<1x1024xf32>, vector<1x1024xf32>, vector<1x1024xf32>, vector<4x1024xf32> -> vector<8x1024xf32>
    %transpose3A_98 = tpu.transpose %concatenate3A_97, [1, 0] : vector<8x1024xf32> -> vector<1024x8xf32>
    %slice3A_99 = vector.extract_strided_slice %transpose3A_98 {offsets = [0, 0], sizes = [1024, 1], strides = [1, 1]} : vector<1024x8xf32> to vector<1024x1xf32>
    %slice3A_100 = vector.extract_strided_slice %concatenate3A_97 {offsets = [0, 0], sizes = [1, 1024], strides = [1, 1]} : vector<8x1024xf32> to vector<1x1024xf32>
    %max3A = vector.broadcast %slice3A_99 : vector<1024x1xf32> to vector<1024x1024xf32>
    %max3A_101 = vector.broadcast %slice3A_100 : vector<1x1024xf32> to vector<1024x1024xf32>
    %max3A_102 = arith.maximumf %max3A, %max3A_101 : vector<1024x1024xf32>
    %slice3A_103 = vector.extract_strided_slice %transpose3A_98 {offsets = [0, 1], sizes = [1024, 1], strides = [1, 1]} : vector<1024x8xf32> to vector<1024x1xf32>
    %slice3A_104 = vector.extract_strided_slice %concatenate3A_97 {offsets = [1, 0], sizes = [1, 1024], strides = [1, 1]} : vector<8x1024xf32> to vector<1x1024xf32>
    %max3A_105 = vector.broadcast %slice3A_103 : vector<1024x1xf32> to vector<1024x1024xf32>
    %max3A_106 = vector.broadcast %slice3A_104 : vector<1x1024xf32> to vector<1024x1024xf32>
    %max3A_107 = arith.maximumf %max3A_105, %max3A_106 : vector<1024x1024xf32>
    %slice3A_108 = vector.extract_strided_slice %transpose3A_98 {offsets = [0, 2], sizes = [1024, 1], strides = [1, 1]} : vector<1024x8xf32> to vector<1024x1xf32>
    %slice3A_109 = vector.extract_strided_slice %concatenate3A_97 {offsets = [2, 0], sizes = [1, 1024], strides = [1, 1]} : vector<8x1024xf32> to vector<1x1024xf32>
    %min3A = vector.broadcast %slice3A_108 : vector<1024x1xf32> to vector<1024x1024xf32>
    %min3A_110 = vector.broadcast %slice3A_109 : vector<1x1024xf32> to vector<1024x1024xf32>
    %min3A_111 = arith.minimumf %min3A, %min3A_110 : vector<1024x1024xf32>
    %slice3A_112 = vector.extract_strided_slice %transpose3A_98 {offsets = [0, 3], sizes = [1024, 1], strides = [1, 1]} : vector<1024x8xf32> to vector<1024x1xf32>
    %slice3A_113 = vector.extract_strided_slice %concatenate3A_97 {offsets = [3, 0], sizes = [1, 1024], strides = [1, 1]} : vector<8x1024xf32> to vector<1x1024xf32>
    %min3A_114 = vector.broadcast %slice3A_112 : vector<1024x1xf32> to vector<1024x1024xf32>
    %min3A_115 = vector.broadcast %slice3A_113 : vector<1x1024xf32> to vector<1024x1024xf32>
    %min3A_116 = arith.minimumf %min3A_114, %min3A_115 : vector<1024x1024xf32>
    %sub3A_117 = arith.subf %min3A_111, %max3A_102 : vector<1024x1024xf32>
    %jit3A_118 = arith.constant 0.000000e+00 : f32
    %max3A_119 = vector.broadcast %jit3A_118 : f32 to vector<1024x1024xf32>
    %max3A_120 = arith.maximumf %max3A_119, %sub3A_117 : vector<1024x1024xf32>
    %sub3A_121 = arith.subf %min3A_116, %max3A_107 : vector<1024x1024xf32>
    %jit3A_122 = arith.constant 0.000000e+00 : f32
    %max3A_123 = vector.broadcast %jit3A_122 : f32 to vector<1024x1024xf32>
    %max3A_124 = arith.maximumf %max3A_123, %sub3A_121 : vector<1024x1024xf32>
    %mul3A_125 = arith.mulf %max3A_120, %max3A_124 : vector<1024x1024xf32>
    %slice3A_126 = vector.extract_strided_slice %concatenate3A_97 {offsets = [2, 0], sizes = [1, 1024], strides = [1, 1]} : vector<8x1024xf32> to vector<1x1024xf32>
    %slice3A_127 = vector.extract_strided_slice %concatenate3A_97 {offsets = [0, 0], sizes = [1, 1024], strides = [1, 1]} : vector<8x1024xf32> to vector<1x1024xf32>
    %sub3A_128 = arith.subf %slice3A_126, %slice3A_127 : vector<1x1024xf32>
    %slice3A_129 = vector.extract_strided_slice %concatenate3A_97 {offsets = [3, 0], sizes = [1, 1024], strides = [1, 1]} : vector<8x1024xf32> to vector<1x1024xf32>
    %slice3A_130 = vector.extract_strided_slice %concatenate3A_97 {offsets = [1, 0], sizes = [1, 1024], strides = [1, 1]} : vector<8x1024xf32> to vector<1x1024xf32>
    %sub3A_131 = arith.subf %slice3A_129, %slice3A_130 : vector<1x1024xf32>
    %mul3A_132 = arith.mulf %sub3A_128, %sub3A_131 : vector<1x1024xf32>
    %slice3A_133 = vector.extract_strided_slice %transpose3A_98 {offsets = [0, 2], sizes = [1024, 1], strides = [1, 1]} : vector<1024x8xf32> to vector<1024x1xf32>
    %slice3A_134 = vector.extract_strided_slice %transpose3A_98 {offsets = [0, 0], sizes = [1024, 1], strides = [1, 1]} : vector<1024x8xf32> to vector<1024x1xf32>
    %sub3A_135 = arith.subf %slice3A_133, %slice3A_134 : vector<1024x1xf32>
    %slice3A_136 = vector.extract_strided_slice %transpose3A_98 {offsets = [0, 3], sizes = [1024, 1], strides = [1, 1]} : vector<1024x8xf32> to vector<1024x1xf32>
    %slice3A_137 = vector.extract_strided_slice %transpose3A_98 {offsets = [0, 1], sizes = [1024, 1], strides = [1, 1]} : vector<1024x8xf32> to vector<1024x1xf32>
    %sub3A_138 = arith.subf %slice3A_136, %slice3A_137 : vector<1024x1xf32>
    %mul3A_139 = arith.mulf %sub3A_135, %sub3A_138 : vector<1024x1xf32>
    %add3A_140 = vector.broadcast %mul3A_139 : vector<1024x1xf32> to vector<1024x1024xf32>
    %add3A_141 = vector.broadcast %mul3A_132 : vector<1x1024xf32> to vector<1024x1024xf32>
    %add3A_142 = arith.addf %add3A_140, %add3A_141 : vector<1024x1024xf32>
    %sub3A_143 = arith.subf %add3A_142, %mul3A_125 : vector<1024x1024xf32>
    %add3A_144 = arith.constant 9.99999997E-7 : f32
    %add3A_145 = vector.broadcast %add3A_144 : f32 to vector<1024x1024xf32>
    %add3A_146 = arith.addf %sub3A_143, %add3A_145 : vector<1024x1024xf32>
    %div3A_147 = arith.divf %mul3A_125, %add3A_146 : vector<1024x1024xf32>
    %gt3A_148 = arith.constant 0.699999988 : f32
    %gt3A_149 = vector.broadcast %gt3A_148 : f32 to vector<1024x1024xf32>
    %gt3A_150 = arith.cmpf ogt, %div3A_147, %gt3A_149 : vector<1024x1024xf32>
    %jit3A_151 = arith.constant 0.000000e+00 : f32
    %broadcast_in_dim3A_152 = vector.broadcast %jit3A_151 : f32 to vector<1024x1024xf32>
    %select_n3A_153 = arith.select %gt3A_150, %select_n3A_73, %broadcast_in_dim3A_152 : vector<1024x1024xi1>, vector<1024x1024xf32>
    %broadcast_in_dim3A_154 = arith.constant 1.000000e+00 : f32
    %broadcast_in_dim3A_155 = vector.broadcast %broadcast_in_dim3A_154 : f32 to vector<1x1024xf32>
    %while3A = arith.constant true
    %while3A_156:2 = scf.while (%while3A_182 = %broadcast_in_dim3A_155, %while3A_183 = %while3A) : (vector<1x1024xf32>, i1) -> (vector<1x1024xf32>, i1) {
      scf.condition(%while3A_183) %while3A_182, %while3A_183 : vector<1x1024xf32>, i1
    } do {
    ^bb0(%while3A_182: vector<1x1024xf32>, %while3A_183: i1):
      %dot_general3A_184 = arith.constant dense<0.000000e+00> : vector<1x1024xf32>
      %dot_general3A_185 = tpu.matmul %while3A_182, %select_n3A_153, %dot_general3A_184 {dimension_numbers = #tpu.dot_dimension_numbers<[1], [0], [0], [1], [0, 0, 1, 1], [], []>, transpose_lhs_hint = false} : vector<1x1024xf32>, vector<1024x1024xf32>, vector<1x1024xf32> -> vector<1x1024xf32>
      %lt3A_186 = arith.constant 5.000000e-01 : f32
      %lt3A_187 = vector.broadcast %lt3A_186 : f32 to vector<1x1024xf32>
      %lt3A_188 = arith.cmpf olt, %dot_general3A_185, %lt3A_187 : vector<1x1024xf32>
      %convert_element_type3A_189 = arith.extui %lt3A_188 : vector<1x1024xi1> to vector<1x1024xi32>
      %convert_element_type3A_190 = arith.sitofp %convert_element_type3A_189 : vector<1x1024xi32> to vector<1x1024xf32>
      %sub3A_191 = arith.subf %convert_element_type3A_190, %while3A_182 : vector<1x1024xf32>
      %abs3A_192 = math.absf %sub3A_191 : vector<1x1024xf32>
      %reduce_sum3A = vector.shape_cast %abs3A_192 : vector<1x1024xf32> to vector<1x1x1024xf32>
      %reduce_sum3A_193 = arith.constant dense<0.000000e+00> : vector<1xf32>
      %reduce_sum3A_194 = vector.multi_reduction <add>, %reduce_sum3A, %reduce_sum3A_193 [1, 2] : vector<1x1x1024xf32> to vector<1xf32>
      %reduce_sum3A_195 = vector.shape_cast %reduce_sum3A_194 : vector<1xf32> to vector<1x1x1xf32>
      %reduce_sum3A_196 = vector.extract %reduce_sum3A_195[0, 0, 0] : f32 from vector<1x1x1xf32>
      %gt3A_197 = arith.constant 0.000000e+00 : f32
      %gt3A_198 = arith.cmpf ogt, %reduce_sum3A_196, %gt3A_197 : f32
      scf.yield %convert_element_type3A_190, %gt3A_198 : vector<1x1024xf32>, i1
    }
    %dot_general3A = arith.constant dense<0.000000e+00> : vector<1x1024xf32>
    %dot_general3A_157 = tpu.matmul %while3A_156#0, %select_n3A_73, %dot_general3A {dimension_numbers = #tpu.dot_dimension_numbers<[1], [0], [0], [1], [0, 0, 1, 1], [], []>, transpose_lhs_hint = false} : vector<1x1024xf32>, vector<1024x1024xf32>, vector<1x1024xf32> -> vector<1x1024xf32>
    %iota3A = tpu.iota {dimensions = array<i32: 0>} : vector<512x1024xi32>
    %convert_element_type3A_158 = arith.sitofp %iota3A : vector<512x1024xi32> to vector<512x1024xf32>
    %sub3A_159 = vector.broadcast %dot_general3A_157 : vector<1x1024xf32> to vector<512x1024xf32>
    %sub3A_160 = arith.subf %sub3A_159, %convert_element_type3A_158 : vector<512x1024xf32>
    %abs3A_161 = math.absf %sub3A_160 : vector<512x1024xf32>
    %lt3A_162 = arith.constant 5.000000e-01 : f32
    %lt3A_163 = vector.broadcast %lt3A_162 : f32 to vector<512x1024xf32>
    %lt3A_164 = arith.cmpf olt, %abs3A_161, %lt3A_163 : vector<512x1024xf32>
    %gt3A_165 = arith.constant 5.000000e-01 : f32
    %gt3A_166 = vector.broadcast %gt3A_165 : f32 to vector<1x1024xf32>
    %gt3A_167 = arith.cmpf ogt, %while3A_156#0, %gt3A_166 : vector<1x1024xf32>
    %and3A_168 = vector.broadcast %gt3A_167 : vector<1x1024xi1> to vector<512x1024xi1>
    %and3A_169 = arith.andi %lt3A_164, %and3A_168 : vector<512x1024xi1>
    %jit3A_170 = arith.constant 1.000000e+00 : f32
    %jit3A_171 = arith.constant 0.000000e+00 : f32
    %broadcast_in_dim3A_172 = vector.broadcast %jit3A_170 : f32 to vector<512x1024xf32>
    %broadcast_in_dim3A_173 = vector.broadcast %jit3A_171 : f32 to vector<512x1024xf32>
    %select_n3A_174 = arith.select %and3A_169, %broadcast_in_dim3A_172, %broadcast_in_dim3A_173 : vector<512x1024xi1>, vector<512x1024xf32>
    %dot_general3A_175 = arith.constant dense<0.000000e+00> : vector<512x16xf32>
    %dot_general3A_176 = tpu.matmul %select_n3A_174, %transpose3A_58, %dot_general3A_175 {dimension_numbers = #tpu.dot_dimension_numbers<[1], [0], [0], [1], [0, 0, 1, 1], [], []>, precision = #tpu.contract_precision<fp32>, transpose_lhs_hint = false} : vector<512x1024xf32>, vector<1024x16xf32>, vector<512x16xf32> -> vector<512x16xf32>
    %swap3A = arith.constant 0 : index
    %swap3A_177 = arith.constant 0 : index
    %swap3A_178 = arith.constant 0 : index
    %swap3A_179 = vector.load %arg4[%swap3A, %swap3A_177, %swap3A_178] : memref<1x512x16xf32, #tpu.memory_space<vmem>>, vector<1x512x16xf32>
    %swap3A_180 = vector.shape_cast %swap3A_179 : vector<1x512x16xf32> to vector<512x16xf32>
    %swap3A_181 = vector.shape_cast %dot_general3A_176 : vector<512x16xf32> to vector<1x512x16xf32>
    tpu.vector_store %arg4[%swap3A, %swap3A_177, %swap3A_178], %swap3A_181 {strides = array<i32>} : memref<1x512x16xf32, #tpu.memory_space<vmem>>, vector<1x512x16xf32>,
    return
  }
  func.func @transform_0(%arg0: i32) -> (i32, i32, i32) {
    %c0_i32 = arith.constant 0 : i32
    %c0_i32_0 = arith.constant 0 : i32
    %c0_i32_1 = arith.constant 0 : i32
    return %arg0, %c0_i32, %c0_i32_0 : i32, i32, i32
  }
  func.func @transform_1(%arg0: i32) -> (i32, i32, i32) {
    %c0_i32 = arith.constant 0 : i32
    %c0_i32_0 = arith.constant 0 : i32
    %c0_i32_1 = arith.constant 0 : i32
    return %arg0, %c0_i32, %c0_i32_0 : i32, i32, i32
  }
  func.func @transform_2(%arg0: i32) -> (i32, i32, i32) {
    %c0_i32 = arith.constant 0 : i32
    %c0_i32_0 = arith.constant 0 : i32
    %c0_i32_1 = arith.constant 0 : i32
    return %arg0, %c0_i32, %c0_i32_0 : i32, i32, i32
  }
  func.func @transform_3(%arg0: i32) -> (i32, i32, i32) {
    %c0_i32 = arith.constant 0 : i32
    %c0_i32_0 = arith.constant 0 : i32
    %c0_i32_1 = arith.constant 0 : i32
    return %arg0, %c0_i32, %c0_i32_0 : i32, i32, i32
  }
}

</mosaic_0001>

<sc_bundles>
// kernel: gather_offload_async_start
scs
__scs_entry_jumppad:
0x0: {  	(pc) =	sbr.rel $0x88, $3  }
0x1: {  	(tag) =	ssettag $0x0;
	lr =	simm.s32 $0x1  }
0x2: {  	[smem:$0x3F9F] =	sst lr;
	_ =	strace $0xD0000000  }
0x3: {  	_ = 	snop  }
0x4: {  	_ = 	snop  }
0x5: {  	_ = 	snop  }
0x6: {  	_ = 	snop  }
0x7: {  	_ = 	snop  }
__scs_overlays_trampoline_lowered:
0x8: {  	[smem:$0x3FAE] =	sst s0  }
0x9: {  	[smem:$0x3FAF] =	sst s1  }
0xa: {  	[smem:$0x3FB0] =	sst s2  }
0xb: {  	[smem:$0x3FB1] =	sst s3  }
0xc: {  	[smem:$0x3FB2] =	sst s4  }
0xd: {  	[smem:$0x3FB3] =	sst s5  }
0xe: {  	[smem:$0x3FB4] =	sst s6  }
0xf: {  	[smem:$0x3FB5] =	sst s7  }
0x10: {  	[smem:$0x3FB6] =	sst s8  }
0x11: {  	[smem:$0x3FB7] =	sst s9;
	s0 =	simm.s32 @!p0 $0x0  }
0x12: {  	s1 =	sld [smem:$0x3F9D];
	s0 =	simm.s32 @p0 $0x1  }
0x13: {  	[smem:$0x3FB8] =	sst s0;
	s0 =	simm.s32 @!p1 $0x0  }
0x14: {  	s2 =	sld [smem:$0x3F9C];
	s0 =	simm.s32 @p1 $0x1  }
0x15: {  	[smem:$0x3FB9] =	sst s0;
	s0 =	simm.s32 @!p2 $0x0  }
0x16: {  	s3 =	sld [smem:$0x3FDB];
	s0 =	simm.s32 @p2 $0x1  }
0x17: {  	s4 =	simm.s32 $0x1BF5;
	[smem:$0x3FBB] =	sst s0  }
0x18: {  	s0 =	sld [smem:$0x3F9E];
	_ =	swait.ge [sflag:s4], $0x0  }
0x19: {  	s7 =	sld [smem:$0x3F9F]  }
0x1a: {  	s8 =	sadd.s32 $0xFFFFE003, lr  }
0x1b: {  	s9 =	sadd.s32 $0xFFFFFEF7, lr;
	s5 =	simm.s32 $0xFFFFFFFF;
	p2 =	slt.u32 s8, $0xFFFFF086  }
0x1c: {  	p1 =	slt.u32 s9, $0xF7A;
	s5 =	simm.s32 @!p2 $0x0  }
0x1d: {  	s5 =	simm.s32 @p1 $0x1;
	p0 =	seq.s32 s7, s2  }
0x1e: {  	s7 =	smul.u32 @!p0 $0xF7A, s2;
	p2 =	seq.s32 @!p0 s5, $0x0  }
0x1f: {  	s9 =	smul.u32 $0xF7A, s1;
	s8 =	simm.s32 @!p0 $0x1BF5;
	p2 =	por !p2, p0  }
0x20: {  	[sflag:s8] =	ssyncset.s32 @!p0 $0xFFFFF086;
	s6 =	sadd.s32 @!p0 s3, s7;
	s7 =	simm.s32 @!p0 $0x108  }
0x21: {  	s3 =	sadd.s32 s3, s9;
	s6 =	sadd.s32 @!p0 $0x88, s6;
	s7 =	simm.s32 @p2 $0x1082  }
0x22: {  	[simem:s7], [sflag:s8] =	dma.local @!p0 [hbm:s6], $0xF7A  }
0x23: {  	s9 =	sor.u32 $0xD0000000, s2;
	s6 =	simm.s32 $0x108;
	_ =	swait.ge @!p0 [sflag:s8], $0x0  }
0x24: {  	s3 =	sadd.s32 $0x88, s3;
	s6 =	simm.s32 @!p1 $0x1082;
	[sflag:s4] =	ssyncset.s32 $0xFFFFF086  }
0x25: {  	[simem:s6], [sflag:s4] =	dma.local [hbm:s3], $0xF7A  }
0x26: {  	[smem:$0x3F9F] =	sst s1;
	(tag) =	ssettag s2;
	_ =	strace s9  }
0x27: {  	s1 =	sld [smem:$0x3FAF]  }
0x28: {  	s2 =	sld [smem:$0x3FB0]  }
0x29: {  	s4 =	sld [smem:$0x3FB2]  }
0x2a: {  	p0 =	seq.s32 s5, $0x0;
	s5 =	sld [smem:$0x3FB3]  }
0x2b: {  	s6 =	sld [smem:$0x3FB4]  }
0x2c: {  	s7 =	sld [smem:$0x3FB5]  }
0x2d: {  	s3 =	simm.s32 $0x108;
	s8 =	sld [smem:$0x3FB6]  }
0x2e: {  	s3 =	simm.s32 @!p0 $0x1082;
	s9 =	sld [smem:$0x3FB7]  }
0x2f: {  	lr =	sadd.s32 s0, s3;
	s0 =	sld [smem:$0x3FAE]  }
0x30: {  	s3 =	sld [smem:$0x3FB1]  }
0x31: {  	[smem:$0x3FBA] =	sst s10  }
0x32: {  	s10 =	sld [smem:$0x3FB8];
	_ =	sdelay $0x3  }
0x33: {  	p0 =	seq.s32 s10, $0x1;
	s10 =	sld [smem:$0x3FBA];
	_ =	sdelay $0x3  }
0x34: {  	[smem:$0x3FBA] =	sst s10  }
0x35: {  	s10 =	sld [smem:$0x3FB9];
	_ =	sdelay $0x3  }
0x36: {  	p1 =	seq.s32 s10, $0x1;
	s10 =	sld [smem:$0x3FBA];
	_ =	sdelay $0x3  }
0x37: {  	[smem:$0x3FBA] =	sst s10  }
0x38: {  	s10 =	sld [smem:$0x3FBB]  }
0x39: {  	_ = 	snop;
	(pc) =	sbr.ind lr, $3  }
0x3a: {  	_ = 	snop  }
0x3b: {  	_ = 	snop  }
0x3c: {  	p2 =	seq.s32 s10, $0x1;
	s10 =	sld [smem:$0x3FBA]  }
0x3d: {  	_ =	shalt  }
0x3e: {  	_ =	shalt  }
0x3f: {  	_ =	shalt  }
0x40: {  	_ =	shalt  }
0x41: {  	_ =	shalt  }
0x42: {  	_ =	shalt  }
0x43: {  	_ =	shalt  }
0x44: {  	_ =	shalt  }
0x45: {  	_ =	shalt  }
0x46: {  	_ =	shalt  }
0x47: {  	_ =	shalt  }
0x48: {  	_ =	shalt  }
0x49: {  	_ =	shalt  }
0x4a: {  	_ =	shalt  }
0x4b: {  	_ =	shalt  }
0x4c: {  	_ =	shalt  }
0x4d: {  	_ =	shalt  }
0x4e: {  	_ =	shalt  }
0x4f: {  	_ =	shalt  }
0x50: {  	_ =	shalt  }
0x51: {  	_ =	shalt  }
0x52: {  	_ =	shalt  }
0x53: {  	_ =	shalt  }
0x54: {  	_ =	shalt  }
0x55: {  	_ =	shalt  }
0x56: {  	_ =	shalt  }
0x57: {  	_ =	shalt  }
0x58: {  	_ =	shalt  }
0x59: {  	_ =	shalt  }
0x5a: {  	_ =	shalt  }
0x5b: {  	_ =	shalt  }
0x5c: {  	_ =	shalt  }
0x5d: {  	_ =	shalt  }
0x5e: {  	_ =	shalt  }
0x5f: {  	_ =	shalt  }
0x60: {  	_ =	shalt  }
0x61: {  	_ =	shalt  }
0x62: {  	_ =	shalt  }
0x63: {  	_ =	shalt  }
0x64: {  	_ =	shalt  }
0x65: {  	_ =	shalt  }
0x66: {  	_ =	shalt  }
0x67: {  	_ =	shalt  }
0x68: {  	_ =	shalt  }
0x69: {  	_ =	shalt  }
0x6a: {  	_ =	shalt  }
0x6b: {  	_ =	shalt  }
0x6c: {  	_ =	shalt  }
0x6d: {  	_ =	shalt  }
0x6e: {  	_ =	shalt  }
0x6f: {  	_ =	shalt  }
0x70: {  	_ =	shalt  }
0x71: {  	_ =	shalt  }
0x72: {  	_ =	shalt  }
0x73: {  	_ =	shalt  }
0x74: {  	_ =	shalt  }
0x75: {  	_ =	shalt  }
0x76: {  	_ =	shalt  }
0x77: {  	_ =	shalt  }
0x78: {  	_ =	shalt  }
0x79: {  	_ =	shalt  }
0x7a: {  	_ =	shalt  }
0x7b: {  	_ =	shalt  }
0x7c: {  	_ =	shalt  }
0x7d: {  	_ =	shalt  }
0x7e: {  	_ =	shalt  }
0x7f: {  	_ =	shalt  }
0x80: {  	_ =	shalt  }
0x81: {  	_ =	shalt  }
0x82: {  	_ =	shalt  }
0x83: {  	_ =	shalt  }
0x84: {  	_ =	shalt  }
0x85: {  	_ =	shalt  }
0x86: {  	_ =	shalt  }
0x87: {  	_ =	shalt  }
.Lfunc_end0:
.L_simem_size_0:
called_computation_lowered:
.L_overlay_start_0:
0x88: {  	s2 =	sld [smem:$0x3FD9]  }
0x89: {  	s3 =	sld [smem:$0x3FFE];
	_ =	sdelay $0x1  }
0x8a: {  	s1 =	srdreg.scid  }
0x8b: {  	s0 =	sand.u32 $0x1, s1  }
0x8c: {  	s14 =	sshll.u32 s0, $0xA;
	s2 =	sadd.s32 s3, s2  }
0x8d: {  	s2 =	sadd.s32 s2, s14  }
0x8e: {  	[smem:$0x3FC6] =	sst s2  }
0x8f: {  	_ = 	snop  }
0x90: {  	s2 =	sld [smem:$0x3FD0];
	_ =	sdelay $0x2  }
0x91: {  	s15 =	simm.s32 $0xA;
	s4 =	simm.s32 $0x10  }
0x92: {  	[smem:s4], [sflag:s15] =	dma.local [hbm:s2], $0x1  }
0x93: {  	_ =	swait.eq [sflag:s15], $0x1  }
0x94: {  	[sflag:s15] =	ssyncset.done $0x0  }
0x95: {  	[sflag:s15] =	ssyncadd.s32 $0xFFFFFFFF  }
0x96: {  	s16 =	sld [smem:$0x10];
	(tm) =	ssettm $0x1  }
0x97: {  	s17 =	sld [smem:$0x3FFB];
	_ =	sdelay $0x3  }
0x98: {  	_ =	strace s17  }
0x99: {  	s3 =	sld [smem:$0x3FFC];
	_ =	sdelay $0x3  }
0x9a: {  	_ =	strace s3  }
0x9b: {  	s3 =	sld [smem:$0x3FFD];
	_ =	sdelay $0x3  }
0x9c: {  	_ =	strace s3  }
0x9d: {  	_ =	strace $0x8FFFFFFF  }
0x9e: {  	s18 =	sld [smem:$0x3FDB];
	_ =	sdelay $0x1  }
0x9f: {  	s19 =	simm.s32 $_scs_section_size  }
0xa0: {  	s5 =	simm.s32 $_size__tile_overlayer_lowered;
	s6 =	simm.s32 $_tile_overlayer_lowered  }
0xa1: {  	s22 =	simm.s32 $0x1BFF;
	s21 =	sshll.u32 s6, $0x1;
	s3 =	sadd.s32 s19, s18  }
0xa2: {  	s7 =	simm.s32 $0x0;
	s20 =	sshll.u32 s5, $0x1;
	s5 =	sadd.s32 s21, s3  }
0xa3: {  	[timem:s7], [sflag:s22] =	dma.local [hbm:s5], s20  }
0xa4: {  	_ =	swait.ge [sflag:s22], s20  }
0xa5: {  	s4 =	ssub.s32 $0x0, s20;
	[sflag:s22] =	ssyncset.done $0x0  }
0xa6: {  	[sflag:s22] =	ssyncadd.s32 s4;
	_ =	sdelay $0x1  }
0xa7: {  	s23 =	simm.s32 $0x1B8B  }
0xa8: {  	_ =	swait.ge [sflag:s23], $0x1  }
0xa9: {  	[sflag:s23] =	ssyncset.done $0x0  }
0xaa: {  	s25 =	simm.s32 $0x1B8E;
	s24 =	sld [smem:$0x3FFE];
	[sflag:s23] =	ssyncadd.s32 $0xFFFFFFFF  }
0xab: {  	s26 =	simm.s32 $execute0_lowered;
	[smem:$0x3FD2] =	sst s25  }
0xac: {  	s5 =	sshll.u32 s26, $0x1;
	_ =	strace $0x80000049;
	[dreg:$0x1] =	wrdreg $0xFFFFFFFF  }
0xad: {  	s28 =	simm.s32 $_size_execute0_lowered;
	s3 =	sadd.s32 s3, s5;
	[dreg:$0x0] =	wrdreg $0x0  }
0xae: {  	s5 =	sshll.u32 s28, $0x1;
	[dreg:$0x2] =	wrdreg s3  }
0xaf: {  	[dreg:$0x3] =	wrdreg s5  }
0xb0: {  	[dreg:$0x4] =	wrdreg $0xC0  }
0xb1: {  	_ =	task [dreg:s7], $0x5FFFF  }
0xb2: {  	[dreg:$0x1] =	wrdreg $0xFFFFFFFF  }
0xb3: {  	[dreg:$0x0] =	wrdreg $0x60  }
0xb4: {  	[dreg:$0x2] =	wrdreg s24  }
0xb5: {  	[dreg:$0x3] =	wrdreg s16  }
0xb6: {  	[dreg:$0x4] =	wrdreg $0x9  }
0xb7: {  	_ =	task.clear_ibuf [dreg:s7], $0x5FFFF;
	_ =	strace $0x90000049  }
0xb8: {  	s29 =	simm.s32 $0x9;
	_ =	strace $0x8000004B  }
0xb9: {  	_ =	swait.ge [sflag:s29], $0x1  }
0xba: {  	[sflag:s29] =	ssyncadd.s32 $0xFFFFFFFF  }
0xbb: {  	_ =	strace $0x9000004B  }
0xbc: {  	_ =	sfence  }
0xbd: {  	s30 =	sld [smem:$0x0];
	_ =	sdelay $0x2  }
0xbe: {  	s31 =	sshll.u32 s1, $0xD;
	s1 =	sshrl.u32 s1, $0x2  }
0xbf: {  	s3 =	sand.u32 $0x4000, s31;
	s1 =	sadd.s32 s1, s30  }
0xc0: {  	s0 =	sor.u32 s3, s0;
	s1 =	sshll.u32 s1, $0x11  }
0xc1: {  	s0 =	sor.u32 s1, s0  }
0xc2: {  	s0 =	sadd.s32 $0x8F2B, s0  }
0xc3: {  	[sflag:s0] =	ssyncadd.remote.s32 $0x1  }
0xc4: {  	_ =	sfence.sel $0xFFFF  }
0xc5: {  	[dreg:$0x0] =	wrdreg $0xFFFFFFFF;
	(pc) =	sbr.abs _section_cstart, $3  }
0xc6: {  	[dreg:$0x1] =	wrdreg $0xFFFFFFFF  }
0xc7: {  	_ =	task.clear_ibuf [dreg:s7], $0x2FFFF;
	_ =	strace $0x9FFFFFFF  }
0xc8: {  	(tm) =	ssettm $0x7FFFFFFF  }
0xc9: {  	_ =	shalt  }
tec
execute0_lowered:
.L_overlay_start_1:
0x0: {  	(tag) =	ssettag $0x1  }
0x1: {  	s7 =	rddreg [dreg:$0x0]  }
0x2: {  	s2 =	rddreg [dreg:$0x1]  }
0x3: {  	s0 =	rddreg [dreg:$0x2]  }
0x4: {  	s1 =	srdreg.scid;
	_ =	strace $0x8000004A;
	s4 =	simm.s32 $0x1  }
0x5: {  	s9 =	simm.s32 $0x3;
	s12 =	simm.s32 $0x0;
	s5 =	sshll.u32 s1, $0x4  }
.Ltmp0:
0x6: {  	s1 =	stileid.u32;
	s5 =	sand.u32 $0x10, s5;
	(pc) =	sbr.rel .LBB2_1-.Ltmp0, $4  }
0x7: {  	s10 =	simm.s32 $0x0;
	s3 =	sadd.s32 $0x8A00, s7;
	s6 =	sor.u32 s1, s5  }
0x8: {  	[sflag:s4] =	ssyncpa.u1 $0x0;
	s5 =	simm.s32 $0x2;
	s6 =	sshll.u32 s6, $0x7  }
0x9: {  	s7 =	sadd.s32 $0x141200, s7;
	[sflag:s5] =	ssyncpa.u1 $0x0;
	s8 =	sadd.s32 $0x80, s6  }
0xa: {  	vm0 =	vmmov $0xff;
	vm1 =	vcmask $0x3F20;
	[sflag:s9] =	ssyncpa.u1 $0x0;
	s9 =	simm.s32 $0x80;
	s11 =	smov.u32 s6  }
.LBB2_9:
0xb: {  	p0 =	seq.s32 s10, $0x2  }
.Ltmp1:
0xc: {  	_ = 	snop;
	(pc) =	sbr.rel @p0 .LBB2_11-.Ltmp1, $1  }
0xd: {  	_ =	sdelay $0x3  }
.LBB2_10:
0xe: {  	s12 =	sadd.s32 $0x80, s11  }
0xf: {  	s13 =	smov.u32 s6;
	p0 =	slt.s32 s12, s8  }
0x10: {  	s13 =	smov.u32 @p0 s12  }
0x11: {  	s10 =	sadd.s32 $0x1, s10;
	s12 =	smov.u32 s11;
	s11 =	smov.u32 s13  }
.LBB2_1:
0x12: {  	p0 =	sne.s32 s10, $0x0  }
.Ltmp2:
0x13: {  	_ = 	snop;
	(pc) =	sbr.rel @!p0 .LBB2_2-.Ltmp2, $1  }
0x14: {  	_ =	sdelay $0x3  }
0x15: {  	s13 =	sand.u32 $0x1, s10  }
0x16: {  	p0 =	seq.s32 s13, $0x0  }
.Ltmp3:
0x17: {  	_ = 	snop;
	(pc) =	sbr.rel @p0 .LBB2_9-.Ltmp3, $1  }
0x18: {  	_ =	sdelay $0x3  }
0x19: {  	_ =	swait.ge [sflag:s5], $0x80  }
0x1a: {  	[sflag:s5] =	ssyncset.done $0x0  }
0x1b: {  	s13 =	simm.s32 $0x0;
	[sflag:s5] =	ssyncadd.s32 $0xFFFFFF80  }
0x1c: {  	v0 =	vld.msk [tilespmem:s13+$0x80 ss:$0x1], $0xffff;
	_ =	sdelay $0x4  }
0x1d: {  	v1 =	vand.u32 $0x3, v0;
	v2 =	vshll.u32 v0, $0x5  }
0x1e: {  	vm2 =	veq.s32 v0, $0x80000000;
	v0 =	vmul.u32 $0x271000, v1;
	v1 =	vand.u32 $0x3FFF80, v2  }
0x1f: {  	v1 =	vsel vm2, $0xFFFFFF80, v1  }
0x20: {  	v0 =	vsel vm2, $0xFFD8F000, v0;
	v2 =	vand.u32 $0xFFFFFC00, v1  }
0x21: {  	v1 =	vand.u32 $0x380, v1;
	v0 =	vadd.s32 v0, v2  }
0x22: {  	v0 =	vor.u32 v1, v0  }
0x23: {  	v0 =	vshrl.u32 v0, $0x3;
	_ =	sdelay $0x3  }
0x24: {  	s13 =	simm.s32 $0x4100  }
0x25: {  	[tilespmem:s13], [sflag:$0x1] =	stream.indirect_vreg.gather [hbm:s3], $0x80, v0, vm0, $0x38;
	[tilespmem:$0x8100] =	vst v63  }
0x26: {  	s14 =	simm.s32 $0x4500;
	s31 =	simm.s32 $0x10  }
0x27: {  	[tilespmem:s14], [sflag:$0x1] =	stream.indirect_vreg.gather [hbm:s3], $0x80, v0, vm1, $0x38;
	[tilespmem:$0x8100] =	vst v63  }
0x28: {  	s14 =	simm.s32 $0x80;
	v0 =	vld.msk [tilespmem:s31+$0x80 ss:$0x1], $0xffff  }
.LBB2_5:
0x29: {  	p0 =	sne.s32 s14, $0x1C0;
	_ =	sdelay $0x4  }
0x2a: {  	v1 =	vand.u32 $0x3, v0;
	v2 =	vshll.u32 v0, $0x5  }
0x2b: {  	vm2 =	veq.s32 v0, $0x80000000;
	v0 =	vmul.u32 $0x271000, v1;
	v1 =	vand.u32 $0x3FFF80, v2  }
0x2c: {  	v1 =	vsel vm2, $0xFFFFFF80, v1  }
0x2d: {  	v0 =	vsel vm2, $0xFFD8F000, v0;
	v2 =	vand.u32 $0xFFFFFC00, v1  }
0x2e: {  	v1 =	vand.u32 $0x380, v1;
	v0 =	vadd.s32 v0, v2  }
0x2f: {  	v0 =	vor.u32 v1, v0  }
0x30: {  	v0 =	vshrl.u32 v0, $0x3;
	_ =	sdelay $0x3  }
.Ltmp4:
0x31: {  	s13 =	sadd.s32 $0x800, s13;
	(pc) =	sbr.rel @p0 .LBB2_5-.Ltmp4, $4  }
0x32: {  	[tilespmem:s13], [sflag:$0x1] =	stream.indirect_vreg.gather [hbm:s3], $0x80, v0, vm0, $0x38;
	[tilespmem:$0x8100] =	vst v63  }
0x33: {  	s15 =	sshra.s32 s14, $0x2;
	s16 =	sadd.s32 $0x400, s13  }
0x34: {  	[tilespmem:s16], [sflag:$0x1] =	stream.indirect_vreg.gather [hbm:s3], $0x80, v0, vm1, $0x38;
	[tilespmem:$0x8100] =	vst v63  }
0x35: {  	s14 =	sadd.s32 $0x40, s14;
	v0 =	vld.msk [tilespmem:s15+$0x80 ss:$0x1], $0xffff  }
0x36: {  	_ =	sdelay $0x3  }
0x37: {  	v1 =	vand.u32 $0x3, v0;
	v2 =	vshll.u32 v0, $0x5  }
0x38: {  	vm2 =	veq.s32 v0, $0x80000000;
	v61 =	vmul.u32 $0x271000, v1;
	v62 =	vand.u32 $0x3FFF80, v2  }
0x39: {  	v1 =	vsel vm2, $0xFFFFFF80, v62  }
0x3a: {  	v0 =	vsel vm2, $0xFFD8F000, v61;
	v63 =	vand.u32 $0xFFFFFC00, v1  }
0x3b: {  	v1 =	vand.u32 $0x380, v1;
	v0 =	vadd.s32 v0, v63  }
0x3c: {  	v0 =	vor.u32 v1, v0  }
0x3d: {  	v0 =	vshrl.u32 v0, $0x3;
	_ =	sdelay $0x3  }
0x3e: {  	s13 =	sadd.s32 $0x800, s13  }
0x3f: {  	[tilespmem:s13], [sflag:$0x1] =	stream.indirect_vreg.gather [hbm:s3], $0x80, v0, vm0, $0x38;
	[tilespmem:$0x8100] =	vst v63  }
0x40: {  	s13 =	sadd.s32 $0x400, s13  }
0x41: {  	[tilespmem:s13], [sflag:$0x1] =	stream.indirect_vreg.gather [hbm:s3], $0x80, v0, vm1, $0x38;
	[tilespmem:$0x8100] =	vst v63  }
0x42: {  	s12 =	sshll.u32 s12, $0x4;
	s14 =	simm.s32 $0x80;
	_ =	swait.ge [sflag:s4], $0x4000  }
0x43: {  	s15 =	simm.s32 $0x4500;
	s12 =	sadd.s32 s12, s7;
	[sflag:s4] =	ssyncset.done $0x0  }
0x44: {  	s16 =	sadd.s32 $0x0, s12;
	s13 =	simm.s32 $0x4100;
	[sflag:s4] =	ssyncadd.s32 $0xFFFFC000  }
.LBB2_7:
0x45: {  	[hbm:s16] =	stream.linear.scatter [tilespmem:s13], [sflag:$0x3], $0x400, $0x38;
	[tilespmem:$0x8100] =	vst v63  }
0x46: {  	s16 =	smov.u32 s14;
	s13 =	smov.u32 s15;
	p0 =	sne.s32 s14, $0x780  }
.Ltmp5:
0x47: {  	s14 =	sadd.s32 $0x80, s14;
	(pc) =	sbr.rel @p0 .LBB2_7-.Ltmp5, $2  }
0x48: {  	_ =	sdelay $0x2  }
0x49: {  	s15 =	sadd.s32 $0x400, s15;
	s16 =	sadd.s32 s16, s12  }
.Ltmp6:
0x4a: {  	(pc) =	sbr.rel .LBB2_9-.Ltmp6, $2  }
0x4b: {  	_ =	sdelay $0x2  }
0x4c: {  	[hbm:s16] =	stream.linear.scatter [tilespmem:s13], [sflag:$0x3], $0x400, $0x38;
	[tilespmem:$0x8100] =	vst v63  }
.LBB2_2:
.Ltmp7:
0x4d: {  	(pc) =	sbr.rel .LBB2_10-.Ltmp7, $4  }
0x4e: {  	_ = 	snop  }
0x4f: {  	s12 =	sshrl.u32 s11, $0x3  }
0x50: {  	s13 =	sand.u32 $0x7, s11;
	s12 =	sadd.s32 s2, s12  }
0x51: {  	[tilespmem:s9], [sflag:$0x2] =	stream.linear.gather [hbm4b:s12+s13], $0x80, $0x38;
	[tilespmem:$0x8100] =	vst v63  }
.LBB2_11:
0x52: {  	s2 =	simm.s32 $0x3  }
0x53: {  	_ =	swait.ge [sflag:s2], $0x4000  }
0x54: {  	[sflag:s2] =	ssyncset.done $0x0  }
0x55: {  	[sflag:s2] =	ssyncadd.s32 $0xFFFFC000  }
0x56: {  	_ =	sfence.sel $0x180000  }
0x57: {  	s3 =	simm.s32 $0x2;
	[bflag:$0x0] =	sbarrier.arrive $0xFFFF  }
0x58: {  	[sflag:s3] =	ssyncpa.u1 $0x1  }
0x59: {  	s31 =	simm.s32 $0x1;
	[sflag:s2] =	ssyncpa.u1 $0x1  }
0x5a: {  	[sflag:s31] =	ssyncpa.u1 $0x1  }
0x5b: {  	p0 =	sne.s32 s1, $0x0;
	_ =	strace $0x9000004A  }
0x5c: {  	s0 =	sadd.s32 @!p0 $0x100000, s0;
	[bflag:$0x2] =	sbarrier.arrive $0xFFFF  }
0x5d: {  	[sflag:s0] =	ssyncadd.tile.s32 @!p0 $0x1;
	_ =	shalt  }
.Lfunc_end2:
_tile_overlayer_lowered:
.L_overlay_start_2:
0x5e: {  	(tag) =	ssettag $0x2  }
0x5f: {  	s0 =	rddreg [dreg:$0x0];
	s2 =	stileid.u32  }
0x60: {  	s1 =	rddreg [dreg:$0x1];
	p0 =	sne.s32 s2, $0x0  }
0x61: {  	s3 =	rddreg [dreg:$0x2];
	[bflag:$0x3] =	sbarrier.arrive $0xFFFF;
	s2 =	simm.s32 @!p0 $0x1C01  }
0x62: {  	[timem:s3], [sflag:s2] =	dma.local @!p0 [hbm:s0], s1  }
0x63: {  	s0 =	simm.s32 @!p0 $0x1  }
0x64: {  	_ =	swait.ge @!p0 [sflag:s0], s1  }
0x65: {  	s1 =	ssub.s32 @!p0 $0x0, s1;
	[sflag:s0] =	ssyncset.done @!p0 $0x0  }
0x66: {  	[sflag:s0] =	ssyncadd.s32 @!p0 s1  }
0x67: {  	[bflag:$0x3] =	sbarrier.arrive $0xFFFF  }
0x68: {  	_ =	shalt  }

// kernel: kernel.5.cloned.1.call-start
scs
__scs_entry_jumppad:
0x0: {  	(pc) =	sbr.rel $0x88, $3  }
0x1: {  	(tag) =	ssettag $0x0;
	lr =	simm.s32 $0x1  }
0x2: {  	[smem:$0x3F9F] =	sst lr;
	_ =	strace $0xD0000000  }
0x3: {  	_ = 	snop  }
0x4: {  	_ = 	snop  }
0x5: {  	_ = 	snop  }
0x6: {  	_ = 	snop  }
0x7: {  	_ = 	snop  }
__scs_overlays_trampoline_lowered:
0x8: {  	[smem:$0x3FAE] =	sst s0  }
0x9: {  	[smem:$0x3FAF] =	sst s1  }
0xa: {  	[smem:$0x3FB0] =	sst s2  }
0xb: {  	[smem:$0x3FB1] =	sst s3  }
0xc: {  	[smem:$0x3FB2] =	sst s4  }
0xd: {  	[smem:$0x3FB3] =	sst s5  }
0xe: {  	[smem:$0x3FB4] =	sst s6  }
0xf: {  	[smem:$0x3FB5] =	sst s7  }
0x10: {  	[smem:$0x3FB6] =	sst s8  }
0x11: {  	[smem:$0x3FB7] =	sst s9;
	s0 =	simm.s32 @!p0 $0x0  }
0x12: {  	s1 =	sld [smem:$0x3F9D];
	s0 =	simm.s32 @p0 $0x1  }
0x13: {  	[smem:$0x3FB8] =	sst s0;
	s0 =	simm.s32 @!p1 $0x0  }
0x14: {  	s2 =	sld [smem:$0x3F9C];
	s0 =	simm.s32 @p1 $0x1  }
0x15: {  	[smem:$0x3FB9] =	sst s0;
	s0 =	simm.s32 @!p2 $0x0  }
0x16: {  	s3 =	sld [smem:$0x3FDB];
	s0 =	simm.s32 @p2 $0x1  }
0x17: {  	s4 =	simm.s32 $0x1BF5;
	[smem:$0x3FBB] =	sst s0  }
0x18: {  	s0 =	sld [smem:$0x3F9E];
	_ =	swait.ge [sflag:s4], $0x0  }
0x19: {  	s7 =	sld [smem:$0x3F9F]  }
0x1a: {  	s8 =	sadd.s32 $0xFFFFE003, lr  }
0x1b: {  	s9 =	sadd.s32 $0xFFFFFEF7, lr;
	s5 =	simm.s32 $0xFFFFFFFF;
	p2 =	slt.u32 s8, $0xFFFFF086  }
0x1c: {  	p1 =	slt.u32 s9, $0xF7A;
	s5 =	simm.s32 @!p2 $0x0  }
0x1d: {  	s5 =	simm.s32 @p1 $0x1;
	p0 =	seq.s32 s7, s2  }
0x1e: {  	s7 =	smul.u32 @!p0 $0xF7A, s2;
	p2 =	seq.s32 @!p0 s5, $0x0  }
0x1f: {  	s9 =	smul.u32 $0xF7A, s1;
	s8 =	simm.s32 @!p0 $0x1BF5;
	p2 =	por !p2, p0  }
0x20: {  	[sflag:s8] =	ssyncset.s32 @!p0 $0xFFFFF086;
	s6 =	sadd.s32 @!p0 s3, s7;
	s7 =	simm.s32 @!p0 $0x108  }
0x21: {  	s3 =	sadd.s32 s3, s9;
	s6 =	sadd.s32 @!p0 $0x88, s6;
	s7 =	simm.s32 @p2 $0x1082  }
0x22: {  	[simem:s7], [sflag:s8] =	dma.local @!p0 [hbm:s6], $0xF7A  }
0x23: {  	s9 =	sor.u32 $0xD0000000, s2;
	s6 =	simm.s32 $0x108;
	_ =	swait.ge @!p0 [sflag:s8], $0x0  }
0x24: {  	s3 =	sadd.s32 $0x88, s3;
	s6 =	simm.s32 @!p1 $0x1082;
	[sflag:s4] =	ssyncset.s32 $0xFFFFF086  }
0x25: {  	[simem:s6], [sflag:s4] =	dma.local [hbm:s3], $0xF7A  }
0x26: {  	[smem:$0x3F9F] =	sst s1;
	(tag) =	ssettag s2;
	_ =	strace s9  }
0x27: {  	s1 =	sld [smem:$0x3FAF]  }
0x28: {  	s2 =	sld [smem:$0x3FB0]  }
0x29: {  	s4 =	sld [smem:$0x3FB2]  }
0x2a: {  	p0 =	seq.s32 s5, $0x0;
	s5 =	sld [smem:$0x3FB3]  }
0x2b: {  	s6 =	sld [smem:$0x3FB4]  }
0x2c: {  	s7 =	sld [smem:$0x3FB5]  }
0x2d: {  	s3 =	simm.s32 $0x108;
	s8 =	sld [smem:$0x3FB6]  }
0x2e: {  	s3 =	simm.s32 @!p0 $0x1082;
	s9 =	sld [smem:$0x3FB7]  }
0x2f: {  	lr =	sadd.s32 s0, s3;
	s0 =	sld [smem:$0x3FAE]  }
0x30: {  	s3 =	sld [smem:$0x3FB1]  }
0x31: {  	[smem:$0x3FBA] =	sst s10  }
0x32: {  	s10 =	sld [smem:$0x3FB8];
	_ =	sdelay $0x3  }
0x33: {  	p0 =	seq.s32 s10, $0x1;
	s10 =	sld [smem:$0x3FBA];
	_ =	sdelay $0x3  }
0x34: {  	[smem:$0x3FBA] =	sst s10  }
0x35: {  	s10 =	sld [smem:$0x3FB9];
	_ =	sdelay $0x3  }
0x36: {  	p1 =	seq.s32 s10, $0x1;
	s10 =	sld [smem:$0x3FBA];
	_ =	sdelay $0x3  }
0x37: {  	[smem:$0x3FBA] =	sst s10  }
0x38: {  	s10 =	sld [smem:$0x3FBB]  }
0x39: {  	_ = 	snop;
	(pc) =	sbr.ind lr, $3  }
0x3a: {  	_ = 	snop  }
0x3b: {  	_ = 	snop  }
0x3c: {  	p2 =	seq.s32 s10, $0x1;
	s10 =	sld [smem:$0x3FBA]  }
0x3d: {  	_ =	shalt  }
0x3e: {  	_ =	shalt  }
0x3f: {  	_ =	shalt  }
0x40: {  	_ =	shalt  }
0x41: {  	_ =	shalt  }
0x42: {  	_ =	shalt  }
0x43: {  	_ =	shalt  }
0x44: {  	_ =	shalt  }
0x45: {  	_ =	shalt  }
0x46: {  	_ =	shalt  }
0x47: {  	_ =	shalt  }
0x48: {  	_ =	shalt  }
0x49: {  	_ =	shalt  }
0x4a: {  	_ =	shalt  }
0x4b: {  	_ =	shalt  }
0x4c: {  	_ =	shalt  }
0x4d: {  	_ =	shalt  }
0x4e: {  	_ =	shalt  }
0x4f: {  	_ =	shalt  }
0x50: {  	_ =	shalt  }
0x51: {  	_ =	shalt  }
0x52: {  	_ =	shalt  }
0x53: {  	_ =	shalt  }
0x54: {  	_ =	shalt  }
0x55: {  	_ =	shalt  }
0x56: {  	_ =	shalt  }
0x57: {  	_ =	shalt  }
0x58: {  	_ =	shalt  }
0x59: {  	_ =	shalt  }
0x5a: {  	_ =	shalt  }
0x5b: {  	_ =	shalt  }
0x5c: {  	_ =	shalt  }
0x5d: {  	_ =	shalt  }
0x5e: {  	_ =	shalt  }
0x5f: {  	_ =	shalt  }
0x60: {  	_ =	shalt  }
0x61: {  	_ =	shalt  }
0x62: {  	_ =	shalt  }
0x63: {  	_ =	shalt  }
0x64: {  	_ =	shalt  }
0x65: {  	_ =	shalt  }
0x66: {  	_ =	shalt  }
0x67: {  	_ =	shalt  }
0x68: {  	_ =	shalt  }
0x69: {  	_ =	shalt  }
0x6a: {  	_ =	shalt  }
0x6b: {  	_ =	shalt  }
0x6c: {  	_ =	shalt  }
0x6d: {  	_ =	shalt  }
0x6e: {  	_ =	shalt  }
0x6f: {  	_ =	shalt  }
0x70: {  	_ =	shalt  }
0x71: {  	_ =	shalt  }
0x72: {  	_ =	shalt  }
0x73: {  	_ =	shalt  }
0x74: {  	_ =	shalt  }
0x75: {  	_ =	shalt  }
0x76: {  	_ =	shalt  }
0x77: {  	_ =	shalt  }
0x78: {  	_ =	shalt  }
0x79: {  	_ =	shalt  }
0x7a: {  	_ =	shalt  }
0x7b: {  	_ =	shalt  }
0x7c: {  	_ =	shalt  }
0x7d: {  	_ =	shalt  }
0x7e: {  	_ =	shalt  }
0x7f: {  	_ =	shalt  }
0x80: {  	_ =	shalt  }
0x81: {  	_ =	shalt  }
0x82: {  	_ =	shalt  }
0x83: {  	_ =	shalt  }
0x84: {  	_ =	shalt  }
0x85: {  	_ =	shalt  }
0x86: {  	_ =	shalt  }
0x87: {  	_ =	shalt  }
.Lfunc_end0:
.L_simem_size_0:
called_computation.1_lowered:
.L_overlay_start_0:
0x88: {  	s2 =	sld [smem:$0x3FD9]  }
0x89: {  	s3 =	sld [smem:$0x3FFE];
	_ =	sdelay $0x1  }
0x8a: {  	s1 =	srdreg.scid  }
0x8b: {  	s0 =	sand.u32 $0x1, s1  }
0x8c: {  	s16 =	sshll.u32 s0, $0xA;
	s2 =	sadd.s32 s3, s2  }
0x8d: {  	s2 =	sadd.s32 s2, s16  }
0x8e: {  	[smem:$0x3FC6] =	sst s2  }
0x8f: {  	_ = 	snop  }
0x90: {  	(tm) =	ssettm $0x1  }
0x91: {  	s17 =	sld [smem:$0x3FFB];
	_ =	sdelay $0x3  }
0x92: {  	_ =	strace s17  }
0x93: {  	s2 =	sld [smem:$0x3FFC];
	_ =	sdelay $0x3  }
0x94: {  	_ =	strace s2  }
0x95: {  	s2 =	sld [smem:$0x3FFD];
	_ =	sdelay $0x3  }
0x96: {  	_ =	strace s2  }
0x97: {  	_ =	strace $0x8FFFFFFF  }
0x98: {  	s18 =	sld [smem:$0x3FDB];
	_ =	sdelay $0x1  }
0x99: {  	s19 =	simm.s32 $_scs_section_size  }
0x9a: {  	s4 =	simm.s32 $_size__tile_overlayer_lowered;
	s5 =	simm.s32 $_tile_overlayer_lowered  }
0x9b: {  	s22 =	simm.s32 $0x1BFF;
	s21 =	sshll.u32 s5, $0x1;
	s2 =	sadd.s32 s19, s18  }
0x9c: {  	s6 =	simm.s32 $0x0;
	s20 =	sshll.u32 s4, $0x1;
	s4 =	sadd.s32 s21, s2  }
0x9d: {  	[timem:s6], [sflag:s22] =	dma.local [hbm:s4], s20  }
0x9e: {  	_ =	swait.ge [sflag:s22], s20  }
0x9f: {  	s3 =	ssub.s32 $0x0, s20;
	[sflag:s22] =	ssyncset.done $0x0  }
0xa0: {  	[sflag:s22] =	ssyncadd.s32 s3;
	_ =	sdelay $0x1  }
0xa1: {  	s23 =	simm.s32 $0x1B8B  }
0xa2: {  	_ =	swait.ge [sflag:s23], $0x1  }
0xa3: {  	[sflag:s23] =	ssyncset.done $0x0  }
0xa4: {  	s25 =	simm.s32 $0x1B8E;
	s24 =	sld [smem:$0x3FFE];
	[sflag:s23] =	ssyncadd.s32 $0xFFFFFFFF  }
0xa5: {  	s26 =	simm.s32 $execute0_lowered;
	[smem:$0x3FD2] =	sst s25  }
0xa6: {  	s4 =	sshll.u32 s26, $0x1;
	_ =	strace $0x80000046;
	[dreg:$0x1] =	wrdreg $0xFFFFFFFF  }
0xa7: {  	s28 =	simm.s32 $_size_execute0_lowered;
	s2 =	sadd.s32 s2, s4;
	[dreg:$0x0] =	wrdreg $0x0  }
0xa8: {  	s4 =	sshll.u32 s28, $0x1;
	[dreg:$0x2] =	wrdreg s2  }
0xa9: {  	[dreg:$0x3] =	wrdreg s4  }
0xaa: {  	[dreg:$0x4] =	wrdreg $0xC0  }
0xab: {  	_ =	task [dreg:s6], $0x5FFFF  }
0xac: {  	[dreg:$0x1] =	wrdreg $0xFFFFFFFF  }
0xad: {  	[dreg:$0x0] =	wrdreg $0x60  }
0xae: {  	[dreg:$0x2] =	wrdreg s24  }
0xaf: {  	[dreg:$0x3] =	wrdreg $0x9  }
0xb0: {  	_ =	task.clear_ibuf [dreg:s6], $0x4FFFF;
	_ =	strace $0x90000046  }
0xb1: {  	s29 =	simm.s32 $0x9;
	_ =	strace $0x80000048  }
0xb2: {  	_ =	swait.ge [sflag:s29], $0x1  }
0xb3: {  	[sflag:s29] =	ssyncadd.s32 $0xFFFFFFFF  }
0xb4: {  	_ =	strace $0x90000048  }
0xb5: {  	_ =	sfence  }
0xb6: {  	s30 =	sld [smem:$0x0];
	_ =	sdelay $0x2  }
0xb7: {  	s31 =	sshll.u32 s1, $0xD;
	s1 =	sshrl.u32 s1, $0x2  }
0xb8: {  	s3 =	sand.u32 $0x4000, s31;
	s1 =	sadd.s32 s1, s30  }
0xb9: {  	s0 =	sor.u32 s3, s0;
	s1 =	sshll.u32 s1, $0x11  }
0xba: {  	s0 =	sor.u32 s1, s0  }
0xbb: {  	s0 =	sadd.s32 $0x8F2B, s0  }
0xbc: {  	[sflag:s0] =	ssyncadd.remote.s32 $0x1  }
0xbd: {  	_ =	sfence.sel $0xFFFF  }
0xbe: {  	[dreg:$0x0] =	wrdreg $0xFFFFFFFF;
	(pc) =	sbr.abs _section_cstart, $3  }
0xbf: {  	[dreg:$0x1] =	wrdreg $0xFFFFFFFF  }
0xc0: {  	_ =	task.clear_ibuf [dreg:s6], $0x2FFFF;
	_ =	strace $0x9FFFFFFF  }
0xc1: {  	(tm) =	ssettm $0x7FFFFFFF  }
tec
execute0_lowered:
.L_overlay_start_1:
0x0: {  	(tag) =	ssettag $0x1  }
0x1: {  	s1 =	stileid.u32  }
0x2: {  	p0 =	sgt.u32 s1, $0x1  }
.Ltmp0:
0x3: {  	_ = 	snop;
	(pc) =	sbr.rel @p0 .LBB2_5-.Ltmp0, $4  }
0x4: {  	_ = 	snop  }
0x5: {  	s3 =	rddreg [dreg:$0x0];
	s2 =	simm.s32 $0x0  }
0x6: {  	[smem:$0x7FF] =	sst s2  }
0x7: {  	s0 =	rddreg [dreg:$0x1];
	_ =	strace $0x80000047  }
0x8: {  	s4 =	srdreg.scid;
	s5 =	sshll.u32 s1, $0x5  }
0x9: {  	s8 =	sadd.s32 $0x5E00, s3;
	s11 =	simm.s32 $0x1;
	s4 =	sand.u32 $0x1, s4  }
0xa: {  	s12 =	simm.s32 $0x5000;
	s13 =	simm.s32 $0xA000;
	s6 =	sshll.u32 s4, $0x4  }
0xb: {  	s14 =	simm.s32 $0xF000;
	s9 =	ssub.s32 $0x2, s4;
	s7 =	sor.u32 s6, s5  }
0xc: {  	s15 =	simm.s32 $0xF400;
	s10 =	sshrl.u32 s9, $0x1;
	s6 =	sadd.s32 s7, s3  }
0xd: {  	s9 =	ssub.s32 s9, s10;
	s7 =	sadd.s32 s8, s7;
	s10 =	simm.s32 $0x200  }
0xe: {  	s3 =	sadd.s32 $0x3600, s6;
	s4 =	sadd.s32 $0xE00, s6;
	s5 =	sadd.s32 $0x8600, s6  }
0xf: {  	s6 =	sadd.s32 $0x8800, s6;
	s8 =	smax.u32 s9, $0x1;
	s9 =	simm.s32 $0x80  }
.LBB2_2:
0x10: {  	s16 =	simm.s32 $0x0  }
0x11: {  	[tilespmem:s16], [sflag:$0x1] =	stream.strided.gather [hbm4b:s7+s9], $0x5000, s10, s9, $0x38;
	[tilespmem:$0xF800] =	vst v63  }
0x12: {  	_ =	swait.ge [sflag:s11], $0x5000  }
0x13: {  	[sflag:s11] =	ssyncset.done $0x0  }
0x14: {  	[sflag:s11] =	ssyncadd.s32 $0xFFFFB000  }
0x15: {  	[tilespmem:s12], [sflag:$0x1] =	stream.strided.gather [hbm4b:s3+s9], $0x5000, s10, s9, $0x38;
	[tilespmem:$0xF800] =	vst v63  }
0x16: {  	_ =	swait.ge [sflag:s11], $0x5000  }
0x17: {  	[sflag:s11] =	ssyncset.done $0x0  }
0x18: {  	[sflag:s11] =	ssyncadd.s32 $0xFFFFB000  }
0x19: {  	[tilespmem:s13], [sflag:$0x1] =	stream.strided.gather [hbm4b:s4+s9], $0x5000, s10, s9, $0x38;
	[tilespmem:$0xF800] =	vst v63  }
0x1a: {  	_ =	swait.ge [sflag:s11], $0x5000  }
0x1b: {  	[sflag:s11] =	ssyncset.done $0x0  }
0x1c: {  	s17 =	simm.s32 $0x40;
	s16 =	simm.s32 $0x0;
	[sflag:s11] =	ssyncadd.s32 $0xFFFFB000  }
.LBB2_3:
0x1d: {  	p0 =	sne.s32 s17, $0x13FC0;
	v0 =	vld [tilespmem:s16+$0x0]  }
0x1e: {  	v1 =	vld [tilespmem:s16+$0x5000];
	_ =	sdelay $0x3  }
0x1f: {  	vm0 =	vlt.s32 v0, $0x400;
	_ =	sdelay $0x5  }
0x20: {  	[tilespmem:v0+s14+$0x0] =	vst.idx.msk vm0, v1  }
0x21: {  	v1 =	vld [tilespmem:s16+$0xA000]  }
.Ltmp1:
0x22: {  	(pc) =	sbr.rel @p0 .LBB2_3-.Ltmp1, $2  }
0x23: {  	_ =	sdelay $0x2  }
0x24: {  	s16 =	sshra.s32 s17, $0x2;
	s17 =	sadd.s32 $0x40, s17;
	[tilespmem:v0+s15+$0x0] =	vst.idx.msk vm0, v1  }
0x25: {  	v0 =	vld [tilespmem:s16+$0x0];
	_ =	sdelay $0x4  }
0x26: {  	vm0 =	vlt.s32 v0, $0x400  }
0x27: {  	v1 =	vld [tilespmem:s16+$0x5000];
	_ =	sdelay $0x4  }
0x28: {  	[tilespmem:v0+s14+$0x0] =	vst.idx.msk vm0, v1  }
0x29: {  	v1 =	vld [tilespmem:s16+$0xA000];
	_ =	sdelay $0x4  }
0x2a: {  	[tilespmem:v0+s15+$0x0] =	vst.idx.msk vm0, v1  }
0x2b: {  	[hbm4b:s5+s9] =	stream.strided.scatter [tilespmem:s14], [sflag:$0x1], $0x400, s10, s9, $0x38;
	[tilespmem:$0xF800] =	vst v63  }
0x2c: {  	s2 =	sadd.s32 $0x1, s2;
	_ =	swait.ge [sflag:s11], $0x400  }
0x2d: {  	p0 =	sne.s32 s2, s8;
	[sflag:s11] =	ssyncset.done $0x0  }
.Ltmp2:
0x2e: {  	[sflag:s11] =	ssyncadd.s32 $0xFFFFFC00;
	(pc) =	sbr.rel @p0 .LBB2_2-.Ltmp2, $4  }
0x2f: {  	[hbm4b:s6+s9] =	stream.strided.scatter [tilespmem:s15], [sflag:$0x1], $0x400, s10, s9, $0x38;
	[tilespmem:$0xF800] =	vst v63  }
0x30: {  	_ =	swait.ge [sflag:s11], $0x400  }
0x31: {  	[sflag:s11] =	ssyncset.done $0x0  }
0x32: {  	[sflag:s11] =	ssyncadd.s32 $0xFFFFFC00  }
.LBB2_5:
0x33: {  	_ =	sfence.sel $0x180000  }
0x34: {  	[bflag:$0x0] =	sbarrier.arrive $0xFFFF  }
0x35: {  	p0 =	sne.s32 s1, $0x0;
	_ =	strace $0x90000047  }
0x36: {  	s0 =	sadd.s32 @!p0 $0x100000, s0;
	[bflag:$0x2] =	sbarrier.arrive $0xFFFF  }
0x37: {  	[sflag:s0] =	ssyncadd.tile.s32 @!p0 $0x1;
	_ =	shalt  }
.Lfunc_end2:
_tile_overlayer_lowered:
.L_overlay_start_2:
0x38: {  	(tag) =	ssettag $0x2  }
0x39: {  	s0 =	rddreg [dreg:$0x0];
	s2 =	stileid.u32  }
0x3a: {  	s1 =	rddreg [dreg:$0x1];
	p0 =	sne.s32 s2, $0x0  }
0x3b: {  	s3 =	rddreg [dreg:$0x2];
	[bflag:$0x3] =	sbarrier.arrive $0xFFFF;
	s2 =	simm.s32 @!p0 $0x1C01  }
0x3c: {  	[timem:s3], [sflag:s2] =	dma.local @!p0 [hbm:s0], s1  }
0x3d: {  	s0 =	simm.s32 @!p0 $0x1  }
0x3e: {  	_ =	swait.ge @!p0 [sflag:s0], s1  }
0x3f: {  	s1 =	ssub.s32 @!p0 $0x0, s1;
	[sflag:s0] =	ssyncset.done @!p0 $0x0  }
0x40: {  	[sflag:s0] =	ssyncadd.s32 @!p0 s1  }
0x41: {  	[bflag:$0x3] =	sbarrier.arrive $0xFFFF  }
0x42: {  	_ =	shalt  }

</sc_bundles>
